<compile_context>
chip_gen: v7x
topology: tpu7x:2x2x1
jax: 0.10.2.dev20260603
libtpu: 0.0.44.dev20260713+nightly
codegen_flags: <defaults>
</compile_context>

<pallas_src>
import jax
import jax.numpy as jnp
from jax import lax
from jax.experimental import pallas as pl
from jax.experimental.pallas import tpu as pltpu
from jax.experimental.pallas import tpu_sc as plsc

N = 10000
E = 320000
D = 128

NC = 2
NS = 16
NW = NC * NS
EPW = E // NW
CH = 128
NCH = 79
EPWP = NCH * CH
PAD = EPWP - EPW
NP = 10112
RPT = NP // NS
CNP = 10240
CPT = 1280

_mesh = lambda: plsc.VectorSubcoreMesh(core_axis_name="c", subcore_axis_name="s")


def _sc_agg(y, src, dst, z2):

    def body(y_r, src_r, dst_r, z2_r, s_out_r,
             src_v, dst_v, rows, shared_s, gsem):
        c = lax.axis_index("c")
        s = lax.axis_index("s")
        wid = s * NC + c

        pltpu.sync_copy(src_r.at[wid], src_v)
        pltpu.sync_copy(dst_r.at[wid], dst_v)
        pltpu.sync_copy(z2_r, shared_s.at[pl.ds(s * RPT, RPT)])
        plsc.subcore_barrier()

        def chunk(i, carry):
            j0 = i * 2
            j1 = i * 2 + 1
            pltpu.async_copy(y_r.at[src_v.at[j0]], rows, gsem).wait()
            pltpu.sync_copy(rows, shared_s.at[dst_v.at[j0]], add=True)
            pltpu.async_copy(y_r.at[src_v.at[j1]], rows, gsem).wait()
            pltpu.sync_copy(rows, shared_s.at[dst_v.at[j1]], add=True)
            return carry

        lax.fori_loop(0, NCH // 2, chunk, 0)
        j = NCH - 1
        pltpu.async_copy(y_r.at[src_v.at[j]], rows, gsem).wait()
        pltpu.sync_copy(rows, shared_s.at[dst_v.at[j]], add=True)
        plsc.subcore_barrier()

        pltpu.sync_copy(shared_s.at[pl.ds(s * RPT, RPT)],
                        s_out_r.at[c, pl.ds(s * RPT, RPT)])

    return pl.kernel(
        body,
        out_type=jax.ShapeDtypeStruct((NC, NP, D), jnp.float32),
        mesh=_mesh(),
        scratch_types=[
            pltpu.VMEM((NCH, CH), jnp.int32),
            pltpu.VMEM((NCH, CH), jnp.int32),
            pltpu.VMEM((CH, D), jnp.float32),
            pltpu.VMEM_SHARED((NP, D), jnp.float32),
            pltpu.SemaphoreType.DMA,
        ],
    )(y, src, dst, z2)


def _sc_cnt(dst, z1):

    def body(dst_r, z1_r, cnt_out_r, dst_v, ones_v, shared_cnt):
        c = lax.axis_index("c")
        s = lax.axis_index("s")
        wid = s * NC + c

        pltpu.sync_copy(dst_r.at[wid], dst_v)
        @pl.when(s < CNP // CPT)
        def _():
            pltpu.sync_copy(z1_r, shared_cnt.at[pl.ds(s * CPT, CPT)])
        for k in range(CH // 16):
            ones_v[pl.ds(k * 16, 16)] = jnp.full((16,), 1.0, jnp.float32)
        plsc.subcore_barrier()

        def chunk(j, carry):
            pltpu.sync_copy(ones_v, shared_cnt.at[dst_v.at[j]], add=True)
            return carry

        lax.fori_loop(0, NCH, chunk, 0)
        plsc.subcore_barrier()

        @pl.when(s < CNP // CPT)
        def _():
            pltpu.sync_copy(shared_cnt.at[pl.ds(s * CPT, CPT)],
                            cnt_out_r.at[c, pl.ds(s * CPT, CPT)])

    return pl.kernel(
        body,
        out_type=jax.ShapeDtypeStruct((NC, CNP), jnp.float32),
        mesh=_mesh(),
        scratch_types=[
            pltpu.VMEM((NCH, CH), jnp.int32),
            pltpu.VMEM((CH,), jnp.float32),
            pltpu.VMEM_SHARED((CNP,), jnp.float32),
        ],
    )(dst, z1)


ROWS_B = 2000


def _mm_body(x_r, w_r, o_r):
    o_r[...] = jnp.dot(x_r[...], w_r[...], preferred_element_type=jnp.float32)


def _tc_mm(x, w):
    return pl.pallas_call(
        _mm_body,
        grid=(N // ROWS_B,),
        in_specs=[pl.BlockSpec((ROWS_B, D), lambda i: (i, 0)),
                  pl.BlockSpec((D, D), lambda i: (0, 0))],
        out_specs=pl.BlockSpec((ROWS_B, D), lambda i: (i, 0)),
        out_shape=jax.ShapeDtypeStruct((N, D), jnp.float32),
    )(x, w)


def _tc_mid_body(s_r, ct_r, x_r, wr_r, b_r, wl2_r, h_r, y2_r):
    tot = ct_r[:, 0:1] + ct_r[:, 1:2]
    inv = 1.0 / jnp.maximum(tot, 1.0)
    agg = (s_r[0] + s_r[1]) * inv
    xw = jnp.dot(x_r[...], wr_r[...], preferred_element_type=jnp.float32)
    h = jnp.maximum(agg + xw + b_r[...], 0.0)
    h_r[...] = h
    y2_r[...] = jnp.dot(h, wl2_r[...], preferred_element_type=jnp.float32)


def _tc_mid(s1, cnt_t, x, wr, b, wl2):
    return pl.pallas_call(
        _tc_mid_body,
        grid=(N // ROWS_B,),
        in_specs=[pl.BlockSpec((NC, ROWS_B, D), lambda i: (0, i, 0)),
                  pl.BlockSpec((ROWS_B, NC), lambda i: (i, 0)),
                  pl.BlockSpec((ROWS_B, D), lambda i: (i, 0)),
                  pl.BlockSpec((D, D), lambda i: (0, 0)),
                  pl.BlockSpec((1, D), lambda i: (0, 0)),
                  pl.BlockSpec((D, D), lambda i: (0, 0))],
        out_specs=(pl.BlockSpec((ROWS_B, D), lambda i: (i, 0)),
                   pl.BlockSpec((ROWS_B, D), lambda i: (i, 0))),
        out_shape=(jax.ShapeDtypeStruct((N, D), jnp.float32),
                   jax.ShapeDtypeStruct((N, D), jnp.float32)),
    )(s1, cnt_t, x, wr, b, wl2)


def _tc_out_body(s_r, ct_r, h_r, wr_r, b_r, o_r):
    tot = ct_r[:, 0:1] + ct_r[:, 1:2]
    inv = 1.0 / jnp.maximum(tot, 1.0)
    agg = (s_r[0] + s_r[1]) * inv
    hw = jnp.dot(h_r[...], wr_r[...], preferred_element_type=jnp.float32)
    o_r[...] = agg + hw + b_r[...]


def _tc_out(s2, cnt_t, h, wr, b):
    return pl.pallas_call(
        _tc_out_body,
        grid=(N // ROWS_B,),
        in_specs=[pl.BlockSpec((NC, ROWS_B, D), lambda i: (0, i, 0)),
                  pl.BlockSpec((ROWS_B, NC), lambda i: (i, 0)),
                  pl.BlockSpec((ROWS_B, D), lambda i: (i, 0)),
                  pl.BlockSpec((D, D), lambda i: (0, 0)),
                  pl.BlockSpec((1, D), lambda i: (0, 0))],
        out_specs=pl.BlockSpec((ROWS_B, D), lambda i: (i, 0)),
        out_shape=jax.ShapeDtypeStruct((N, D), jnp.float32),
    )(s2, cnt_t, h, wr, b)


def _pad_edges(idx, pad_base):
    tiles = idx.astype(jnp.int32).reshape(NW, EPW)
    padv = pad_base + jnp.arange(PAD, dtype=jnp.int32)
    pad = jnp.broadcast_to(padv, (NW, PAD))
    return jnp.concatenate([tiles, pad], axis=1).reshape(NW, NCH, CH)


def kernel(x, edge_index, W_l1, W_r1, b1, W_l2, W_r2, b2):
    src = _pad_edges(edge_index[0], 0)
    dst = _pad_edges(edge_index[1], N)
    z2 = jnp.zeros((RPT, D), jnp.float32)
    z1 = jnp.zeros((CPT,), jnp.float32)

    cnt = _sc_cnt(dst, z1)
    cnt_t = cnt.T
    y1 = _tc_mm(x, W_l1)
    s1 = _sc_agg(y1, src, dst, z2)
    h, y2 = _tc_mid(s1, cnt_t, x, W_r1, b1.reshape(1, D), W_l2)
    s2 = _sc_agg(y2, src, dst, z2)
    return _tc_out(s2, cnt_t, h, W_r2, b2.reshape(1, D))

# --- scband reference (transcript-rebuilt; emitter-appended) ---
"""Pipeline reference for scband-graph-sage-1683627180428 (READ-ONLY COPY).

The authoritative reference and input builder live on the scoring server;
editing this copy changes nothing except your own understanding.
"""

import jax, jax.numpy as jnp
import numpy as np

N_NODES = 10000
N_EDGES = 320000
D_IN = 128
D_HID = 128
D_OUT = 128


def setup_inputs(seed: int = 0) -> dict:
    key = jax.random.key(seed)
    ks = jax.random.split(key, 9)
    x = jax.random.normal(ks[0], (N_NODES, D_IN), dtype=jnp.float32)
    edge_index = jax.random.randint(ks[1], (2, N_EDGES), 0, N_NODES, dtype=jnp.int64)
    s1 = 1.0 / np.sqrt(D_IN)
    s2 = 1.0 / np.sqrt(D_HID)
    W_l1 = jax.random.uniform(ks[2], (D_IN, D_HID), jnp.float32, -s1, s1)
    W_r1 = jax.random.uniform(ks[3], (D_IN, D_HID), jnp.float32, -s1, s1)
    b1 = jax.random.uniform(ks[4], (D_HID,), jnp.float32, -s1, s1)
    W_l2 = jax.random.uniform(ks[5], (D_HID, D_OUT), jnp.float32, -s2, s2)
    W_r2 = jax.random.uniform(ks[6], (D_HID, D_OUT), jnp.float32, -s2, s2)
    b2 = jax.random.uniform(ks[7], (D_OUT,), jnp.float32, -s2, s2)
    return {"x": x, "edge_index": edge_index, "W_l1": W_l1, "W_r1": W_r1, "b1": b1, "W_l2": W_l2, "W_r2": W_r2, "b2": b2}


def _sage_conv(x, src, dst, W_l, W_r, b, num_nodes):
    # mean aggregation of neighbor messages (gather from src, scatter-add to dst)
    msg = jnp.take(x, src, axis=0)
    agg = jax.ops.segment_sum(msg, dst, num_segments=num_nodes)
    cnt = jax.ops.segment_sum(jnp.ones((msg.shape[0], 1), dtype=x.dtype), dst, num_segments=num_nodes)
    agg = agg / jnp.clip(cnt, 1.0, None)
    return agg @ W_l + x @ W_r + b


def reference(x, edge_index, W_l1, W_r1, b1, W_l2, W_r2, b2):
    src = edge_index[0]
    dst = edge_index[1]
    h = _sage_conv(x, src, dst, W_l1, W_r1, b1, N_NODES)
    h = jax.nn.relu(h)
    # dropout is identity in eval mode
    out = _sage_conv(h, src, dst, W_l2, W_r2, b2, N_NODES)
    return out

if __name__ == "__main__":
    import jax
    _d = setup_inputs()
    print(jax.jit(kernel)(*tuple(_d.values())))

</pallas_src>

<mosaic_0001>
#map = affine_map<(d0, d1) -> (0, 0)>
#map1 = affine_map<(d0, d1) -> (0, 0, 0)>
module attributes {stable_mosaic.version = 14 : i64} {
  func.func @body(%arg0: i32, %arg1: i32, %arg2: memref<10000x128xf32, #tpu.memory_space<hbm>>, %arg3: memref<32x79x128xi32, #tpu.memory_space<hbm>>, %arg4: memref<32x79x128xi32, #tpu.memory_space<hbm>>, %arg5: memref<632x128xf32, #tpu.memory_space<hbm>>, %arg6: memref<2x10112x128xf32, #tpu.memory_space<hbm>>, %arg7: memref<79x128xi32, #tpu.memory_space<vmem>>, %arg8: memref<79x128xi32, #tpu.memory_space<vmem>>, %arg9: memref<128x128xf32, #tpu.memory_space<vmem>>, %arg10: memref<10112x128xf32, #tpu.memory_space<vmem_shared>>, %arg11: memref<!tpu.dma_semaphore, #tpu.memory_space<semaphore_mem>>) attributes {dimension_semantics = [#tpu.dimension_semantics<core_parallel>, #tpu.dimension_semantics<subcore_parallel>], iteration_bounds = array<i64: 2, 16>, scalar_prefetch = 0 : i64, scratch_operands = 5 : i64, tpu.core_type = #tpu.core_type<sc_vector_subcore>, window_params = [{transform_indices = #map}, {transform_indices = #map1}, {transform_indices = #map1}, {transform_indices = #map}, {transform_indices = #map1}]} {
    %mul3A = arith.constant 2 : i32
    %mul3A_0 = arith.muli %arg1, %mul3A : i32
    %add3A = arith.addi %mul3A_0, %arg0 : i32
    "tpu.region"() ({
      %run_scoped3A_25 = tpu.sem_alloc : memref<!tpu.dma_semaphore, #tpu.memory_space<semaphore_mem>>
      %dma_start3A_26 = arith.constant 0 : i32
      %dma_start3A_27 = arith.constant 0 : i32
      %dma_start3A_28 = tpu.memref_slice %arg3[%add3A, %dma_start3A_26, %dma_start3A_27] : memref<32x79x128xi32, #tpu.memory_space<hbm>> -> memref<1x79x128xi32, #tpu.memory_space<hbm>>
      %dma_start3A_29 = tpu.memref_squeeze %dma_start3A_28 : memref<1x79x128xi32, #tpu.memory_space<hbm>> -> memref<79x128xi32, #tpu.memory_space<hbm>>
      %dma_start3A_30 = arith.constant 0 : i32
      %dma_start3A_31 = arith.constant 0 : i32
      %dma_start3A_32 = tpu.memref_slice %arg3[%add3A, %dma_start3A_30, %dma_start3A_31] : memref<32x79x128xi32, #tpu.memory_space<hbm>> -> memref<1x79x128xi32, #tpu.memory_space<hbm>>
      %dma_start3A_33 = tpu.memref_squeeze %dma_start3A_32 : memref<1x79x128xi32, #tpu.memory_space<hbm>> -> memref<79x128xi32, #tpu.memory_space<hbm>>
      tpu.enqueue_dma source(%dma_start3A_33 : memref<79x128xi32, #tpu.memory_space<hbm>>) target(%arg7 : memref<79x128xi32, #tpu.memory_space<vmem>>) target_semaphore(%run_scoped3A_25 : memref<!tpu.dma_semaphore, #tpu.memory_space<semaphore_mem>>)
      %dma_wait3A_34 = arith.constant 0 : i32
      %dma_wait3A_35 = arith.constant 0 : i32
      %dma_wait3A_36 = tpu.memref_slice %arg3[%add3A, %dma_wait3A_34, %dma_wait3A_35] : memref<32x79x128xi32, #tpu.memory_space<hbm>> -> memref<1x79x128xi32, #tpu.memory_space<hbm>>
      %dma_wait3A_37 = tpu.memref_squeeze %dma_wait3A_36 : memref<1x79x128xi32, #tpu.memory_space<hbm>> -> memref<79x128xi32, #tpu.memory_space<hbm>>
      %dma_wait3A_38 = arith.constant 0 : i32
      %dma_wait3A_39 = arith.constant 0 : i32
      %dma_wait3A_40 = tpu.memref_slice %arg3[%add3A, %dma_wait3A_38, %dma_wait3A_39] : memref<32x79x128xi32, #tpu.memory_space<hbm>> -> memref<1x79x128xi32, #tpu.memory_space<hbm>>
      %dma_wait3A_41 = tpu.memref_squeeze %dma_wait3A_40 : memref<1x79x128xi32, #tpu.memory_space<hbm>> -> memref<79x128xi32, #tpu.memory_space<hbm>>
      tpu.wait_dma2 semaphore(%run_scoped3A_25 : memref<!tpu.dma_semaphore, #tpu.memory_space<semaphore_mem>>) src(%dma_wait3A_41 : memref<79x128xi32, #tpu.memory_space<hbm>>) dst(%arg7 : memref<79x128xi32, #tpu.memory_space<vmem>>)
      tpu.yield
    }) : () -> ()
    "tpu.region"() ({
      %run_scoped3A_25 = tpu.sem_alloc : memref<!tpu.dma_semaphore, #tpu.memory_space<semaphore_mem>>
      %dma_start3A_26 = arith.constant 0 : i32
      %dma_start3A_27 = arith.constant 0 : i32
      %dma_start3A_28 = tpu.memref_slice %arg4[%add3A, %dma_start3A_26, %dma_start3A_27] : memref<32x79x128xi32, #tpu.memory_space<hbm>> -> memref<1x79x128xi32, #tpu.memory_space<hbm>>
      %dma_start3A_29 = tpu.memref_squeeze %dma_start3A_28 : memref<1x79x128xi32, #tpu.memory_space<hbm>> -> memref<79x128xi32, #tpu.memory_space<hbm>>
      %dma_start3A_30 = arith.constant 0 : i32
      %dma_start3A_31 = arith.constant 0 : i32
      %dma_start3A_32 = tpu.memref_slice %arg4[%add3A, %dma_start3A_30, %dma_start3A_31] : memref<32x79x128xi32, #tpu.memory_space<hbm>> -> memref<1x79x128xi32, #tpu.memory_space<hbm>>
      %dma_start3A_33 = tpu.memref_squeeze %dma_start3A_32 : memref<1x79x128xi32, #tpu.memory_space<hbm>> -> memref<79x128xi32, #tpu.memory_space<hbm>>
      tpu.enqueue_dma source(%dma_start3A_33 : memref<79x128xi32, #tpu.memory_space<hbm>>) target(%arg8 : memref<79x128xi32, #tpu.memory_space<vmem>>) target_semaphore(%run_scoped3A_25 : memref<!tpu.dma_semaphore, #tpu.memory_space<semaphore_mem>>)
      %dma_wait3A_34 = arith.constant 0 : i32
      %dma_wait3A_35 = arith.constant 0 : i32
      %dma_wait3A_36 = tpu.memref_slice %arg4[%add3A, %dma_wait3A_34, %dma_wait3A_35] : memref<32x79x128xi32, #tpu.memory_space<hbm>> -> memref<1x79x128xi32, #tpu.memory_space<hbm>>
      %dma_wait3A_37 = tpu.memref_squeeze %dma_wait3A_36 : memref<1x79x128xi32, #tpu.memory_space<hbm>> -> memref<79x128xi32, #tpu.memory_space<hbm>>
      %dma_wait3A_38 = arith.constant 0 : i32
      %dma_wait3A_39 = arith.constant 0 : i32
      %dma_wait3A_40 = tpu.memref_slice %arg4[%add3A, %dma_wait3A_38, %dma_wait3A_39] : memref<32x79x128xi32, #tpu.memory_space<hbm>> -> memref<1x79x128xi32, #tpu.memory_space<hbm>>
      %dma_wait3A_41 = tpu.memref_squeeze %dma_wait3A_40 : memref<1x79x128xi32, #tpu.memory_space<hbm>> -> memref<79x128xi32, #tpu.memory_space<hbm>>
      tpu.wait_dma2 semaphore(%run_scoped3A_25 : memref<!tpu.dma_semaphore, #tpu.memory_space<semaphore_mem>>) src(%dma_wait3A_41 : memref<79x128xi32, #tpu.memory_space<hbm>>) dst(%arg8 : memref<79x128xi32, #tpu.memory_space<vmem>>)
      tpu.yield
    }) : () -> ()
    %mul3A_1 = arith.constant 632 : i32
    %mul3A_2 = arith.muli %arg1, %mul3A_1 : i32
    "tpu.region"() ({
      %run_scoped3A_25 = tpu.sem_alloc : memref<!tpu.dma_semaphore, #tpu.memory_space<semaphore_mem>>
      %dma_start3A_26 = arith.constant 0 : i32
      %dma_start3A_27 = tpu.memref_slice %arg10[%mul3A_2, %dma_start3A_26] : memref<10112x128xf32, #tpu.memory_space<vmem_shared>> -> memref<632x128xf32, #tpu.memory_space<vmem_shared>>
      tpu.enqueue_dma source(%arg5 : memref<632x128xf32, #tpu.memory_space<hbm>>) target(%dma_start3A_27 : memref<632x128xf32, #tpu.memory_space<vmem_shared>>) target_semaphore(%run_scoped3A_25 : memref<!tpu.dma_semaphore, #tpu.memory_space<semaphore_mem>>)
      %dma_wait3A_28 = arith.constant 0 : i32
      %dma_wait3A_29 = tpu.memref_slice %arg10[%mul3A_2, %dma_wait3A_28] : memref<10112x128xf32, #tpu.memory_space<vmem_shared>> -> memref<632x128xf32, #tpu.memory_space<vmem_shared>>
      tpu.wait_dma2 semaphore(%run_scoped3A_25 : memref<!tpu.dma_semaphore, #tpu.memory_space<semaphore_mem>>) src(%arg5 : memref<632x128xf32, #tpu.memory_space<hbm>>) dst(%dma_wait3A_29 : memref<632x128xf32, #tpu.memory_space<vmem_shared>>)
      tpu.yield
    }) : () -> ()
    %barrier3A = arith.constant 0 : index
    tpu.barrier barrier_id(%barrier3A)
    %scan3A = arith.constant 0 : i32
    %scan3A_3 = arith.constant 0 : i32
    %scan3A_4 = arith.constant 39 : i32
    %scan3A_5 = arith.addi %scan3A_3, %scan3A_4 : i32
    %scan3A_6 = arith.constant 1 : i32
    scf.for %scan3A_25 = %scan3A_3 to %scan3A_5 step %scan3A_6  : i32 {
      %mul3A_26 = arith.constant 2 : i32
      %mul3A_27 = arith.muli %scan3A_25, %mul3A_26 : i32
      %mul3A_28 = arith.constant 2 : i32
      %mul3A_29 = arith.muli %scan3A_25, %mul3A_28 : i32
      %add3A_30 = arith.constant 1 : i32
      %add3A_31 = arith.addi %mul3A_29, %add3A_30 : i32
      %dma_start3A_32 = arith.constant 0 : i32
      %dma_start3A_33 = tpu.memref_slice %arg7[%mul3A_27, %dma_start3A_32] : memref<79x128xi32, #tpu.memory_space<vmem>> -> memref<1x128xi32, #tpu.memory_space<vmem>>
      %dma_start3A_34 = tpu.memref_squeeze %dma_start3A_33 : memref<1x128xi32, #tpu.memory_space<vmem>> -> memref<128xi32, #tpu.memory_space<vmem>>
      %dma_start3A_35 = arith.constant 0 : i32
      %dma_start3A_36 = arith.constant 0 : i32
      %dma_start3A_37 = tpu.memref_slice %arg2[%dma_start3A_35, %dma_start3A_36] : memref<10000x128xf32, #tpu.memory_space<hbm>> -> memref<10000x128xf32, #tpu.memory_space<hbm>>
      tpu.enqueue_indirect_dma source(%dma_start3A_37 : memref<10000x128xf32, #tpu.memory_space<hbm>>) target(%arg9 : memref<128x128xf32, #tpu.memory_space<vmem>>) offsets(%dma_start3A_34 : memref<128xi32, #tpu.memory_space<vmem>>) semaphore(%arg11 : memref<!tpu.dma_semaphore, #tpu.memory_space<semaphore_mem>>)
      %dma_wait3A_38 = arith.constant 0 : i32
      %dma_wait3A_39 = tpu.memref_slice %arg7[%mul3A_27, %dma_wait3A_38] : memref<79x128xi32, #tpu.memory_space<vmem>> -> memref<1x128xi32, #tpu.memory_space<vmem>>
      %dma_wait3A_40 = tpu.memref_squeeze %dma_wait3A_39 : memref<1x128xi32, #tpu.memory_space<vmem>> -> memref<128xi32, #tpu.memory_space<vmem>>
      %dma_wait3A_41 = arith.constant 0 : i32
      %dma_wait3A_42 = arith.constant 0 : i32
      %dma_wait3A_43 = tpu.memref_slice %arg2[%dma_wait3A_41, %dma_wait3A_42] : memref<10000x128xf32, #tpu.memory_space<hbm>> -> memref<10000x128xf32, #tpu.memory_space<hbm>>
      tpu.wait_indirect_dma semaphore(%arg11 : memref<!tpu.dma_semaphore, #tpu.memory_space<semaphore_mem>>) src(%dma_wait3A_43 : memref<10000x128xf32, #tpu.memory_space<hbm>>) dst(%arg9 : memref<128x128xf32, #tpu.memory_space<vmem>>)
      "tpu.region"() ({
        %run_scoped3A_56 = tpu.sem_alloc : memref<!tpu.dma_semaphore, #tpu.memory_space<semaphore_mem>>
        %dma_start3A_57 = arith.constant 0 : i32
        %dma_start3A_58 = tpu.memref_slice %arg8[%mul3A_27, %dma_start3A_57] : memref<79x128xi32, #tpu.memory_space<vmem>> -> memref<1x128xi32, #tpu.memory_space<vmem>>
        %dma_start3A_59 = tpu.memref_squeeze %dma_start3A_58 : memref<1x128xi32, #tpu.memory_space<vmem>> -> memref<128xi32, #tpu.memory_space<vmem>>
        %dma_start3A_60 = arith.constant 0 : i32
        %dma_start3A_61 = arith.constant 0 : i32
        %dma_start3A_62 = tpu.memref_slice %arg10[%dma_start3A_60, %dma_start3A_61] : memref<10112x128xf32, #tpu.memory_space<vmem_shared>> -> memref<10112x128xf32, #tpu.memory_space<vmem_shared>>
        tpu.enqueue_indirect_dma source(%arg9 : memref<128x128xf32, #tpu.memory_space<vmem>>) target(%dma_start3A_62 : memref<10112x128xf32, #tpu.memory_space<vmem_shared>>) offsets(%dma_start3A_59 : memref<128xi32, #tpu.memory_space<vmem>>) semaphore(%run_scoped3A_56 : memref<!tpu.dma_semaphore, #tpu.memory_space<semaphore_mem>>) {add = true}
        %dma_wait3A_63 = arith.constant 0 : i32
        %dma_wait3A_64 = tpu.memref_slice %arg8[%mul3A_27, %dma_wait3A_63] : memref<79x128xi32, #tpu.memory_space<vmem>> -> memref<1x128xi32, #tpu.memory_space<vmem>>
        %dma_wait3A_65 = tpu.memref_squeeze %dma_wait3A_64 : memref<1x128xi32, #tpu.memory_space<vmem>> -> memref<128xi32, #tpu.memory_space<vmem>>
        %dma_wait3A_66 = arith.constant 0 : i32
        %dma_wait3A_67 = arith.constant 0 : i32
        %dma_wait3A_68 = tpu.memref_slice %arg10[%dma_wait3A_66, %dma_wait3A_67] : memref<10112x128xf32, #tpu.memory_space<vmem_shared>> -> memref<10112x128xf32, #tpu.memory_space<vmem_shared>>
        tpu.wait_indirect_dma semaphore(%run_scoped3A_56 : memref<!tpu.dma_semaphore, #tpu.memory_space<semaphore_mem>>) src(%arg9 : memref<128x128xf32, #tpu.memory_space<vmem>>) dst(%dma_wait3A_68 : memref<10112x128xf32, #tpu.memory_space<vmem_shared>>)
        tpu.yield
      }) : () -> ()
      %dma_start3A_44 = arith.constant 0 : i32
      %dma_start3A_45 = tpu.memref_slice %arg7[%add3A_31, %dma_start3A_44] : memref<79x128xi32, #tpu.memory_space<vmem>> -> memref<1x128xi32, #tpu.memory_space<vmem>>
      %dma_start3A_46 = tpu.memref_squeeze %dma_start3A_45 : memref<1x128xi32, #tpu.memory_space<vmem>> -> memref<128xi32, #tpu.memory_space<vmem>>
      %dma_start3A_47 = arith.constant 0 : i32
      %dma_start3A_48 = arith.constant 0 : i32
      %dma_start3A_49 = tpu.memref_slice %arg2[%dma_start3A_47, %dma_start3A_48] : memref<10000x128xf32, #tpu.memory_space<hbm>> -> memref<10000x128xf32, #tpu.memory_space<hbm>>
      tpu.enqueue_indirect_dma source(%dma_start3A_49 : memref<10000x128xf32, #tpu.memory_space<hbm>>) target(%arg9 : memref<128x128xf32, #tpu.memory_space<vmem>>) offsets(%dma_start3A_46 : memref<128xi32, #tpu.memory_space<vmem>>) semaphore(%arg11 : memref<!tpu.dma_semaphore, #tpu.memory_space<semaphore_mem>>)
      %dma_wait3A_50 = arith.constant 0 : i32
      %dma_wait3A_51 = tpu.memref_slice %arg7[%add3A_31, %dma_wait3A_50] : memref<79x128xi32, #tpu.memory_space<vmem>> -> memref<1x128xi32, #tpu.memory_space<vmem>>
      %dma_wait3A_52 = tpu.memref_squeeze %dma_wait3A_51 : memref<1x128xi32, #tpu.memory_space<vmem>> -> memref<128xi32, #tpu.memory_space<vmem>>
      %dma_wait3A_53 = arith.constant 0 : i32
      %dma_wait3A_54 = arith.constant 0 : i32
      %dma_wait3A_55 = tpu.memref_slice %arg2[%dma_wait3A_53, %dma_wait3A_54] : memref<10000x128xf32, #tpu.memory_space<hbm>> -> memref<10000x128xf32, #tpu.memory_space<hbm>>
      tpu.wait_indirect_dma semaphore(%arg11 : memref<!tpu.dma_semaphore, #tpu.memory_space<semaphore_mem>>) src(%dma_wait3A_55 : memref<10000x128xf32, #tpu.memory_space<hbm>>) dst(%arg9 : memref<128x128xf32, #tpu.memory_space<vmem>>)
      "tpu.region"() ({
        %run_scoped3A_56 = tpu.sem_alloc : memref<!tpu.dma_semaphore, #tpu.memory_space<semaphore_mem>>
        %dma_start3A_57 = arith.constant 0 : i32
        %dma_start3A_58 = tpu.memref_slice %arg8[%add3A_31, %dma_start3A_57] : memref<79x128xi32, #tpu.memory_space<vmem>> -> memref<1x128xi32, #tpu.memory_space<vmem>>
        %dma_start3A_59 = tpu.memref_squeeze %dma_start3A_58 : memref<1x128xi32, #tpu.memory_space<vmem>> -> memref<128xi32, #tpu.memory_space<vmem>>
        %dma_start3A_60 = arith.constant 0 : i32
        %dma_start3A_61 = arith.constant 0 : i32
        %dma_start3A_62 = tpu.memref_slice %arg10[%dma_start3A_60, %dma_start3A_61] : memref<10112x128xf32, #tpu.memory_space<vmem_shared>> -> memref<10112x128xf32, #tpu.memory_space<vmem_shared>>
        tpu.enqueue_indirect_dma source(%arg9 : memref<128x128xf32, #tpu.memory_space<vmem>>) target(%dma_start3A_62 : memref<10112x128xf32, #tpu.memory_space<vmem_shared>>) offsets(%dma_start3A_59 : memref<128xi32, #tpu.memory_space<vmem>>) semaphore(%run_scoped3A_56 : memref<!tpu.dma_semaphore, #tpu.memory_space<semaphore_mem>>) {add = true}
        %dma_wait3A_63 = arith.constant 0 : i32
        %dma_wait3A_64 = tpu.memref_slice %arg8[%add3A_31, %dma_wait3A_63] : memref<79x128xi32, #tpu.memory_space<vmem>> -> memref<1x128xi32, #tpu.memory_space<vmem>>
        %dma_wait3A_65 = tpu.memref_squeeze %dma_wait3A_64 : memref<1x128xi32, #tpu.memory_space<vmem>> -> memref<128xi32, #tpu.memory_space<vmem>>
        %dma_wait3A_66 = arith.constant 0 : i32
        %dma_wait3A_67 = arith.constant 0 : i32
        %dma_wait3A_68 = tpu.memref_slice %arg10[%dma_wait3A_66, %dma_wait3A_67] : memref<10112x128xf32, #tpu.memory_space<vmem_shared>> -> memref<10112x128xf32, #tpu.memory_space<vmem_shared>>
        tpu.wait_indirect_dma semaphore(%run_scoped3A_56 : memref<!tpu.dma_semaphore, #tpu.memory_space<semaphore_mem>>) src(%arg9 : memref<128x128xf32, #tpu.memory_space<vmem>>) dst(%dma_wait3A_68 : memref<10112x128xf32, #tpu.memory_space<vmem_shared>>)
        tpu.yield
      }) : () -> ()
    }
    %scan3A_7 = arith.constant 39 : i32
    %dma_start3A = arith.constant 78 : i32
    %dma_start3A_8 = arith.constant 0 : i32
    %dma_start3A_9 = tpu.memref_slice %arg7[%dma_start3A, %dma_start3A_8] : memref<79x128xi32, #tpu.memory_space<vmem>> -> memref<1x128xi32, #tpu.memory_space<vmem>>
    %dma_start3A_10 = tpu.memref_squeeze %dma_start3A_9 : memref<1x128xi32, #tpu.memory_space<vmem>> -> memref<128xi32, #tpu.memory_space<vmem>>
    %dma_start3A_11 = arith.constant 0 : i32
    %dma_start3A_12 = arith.constant 0 : i32
    %dma_start3A_13 = tpu.memref_slice %arg2[%dma_start3A_11, %dma_start3A_12] : memref<10000x128xf32, #tpu.memory_space<hbm>> -> memref<10000x128xf32, #tpu.memory_space<hbm>>
    tpu.enqueue_indirect_dma source(%dma_start3A_13 : memref<10000x128xf32, #tpu.memory_space<hbm>>) target(%arg9 : memref<128x128xf32, #tpu.memory_space<vmem>>) offsets(%dma_start3A_10 : memref<128xi32, #tpu.memory_space<vmem>>) semaphore(%arg11 : memref<!tpu.dma_semaphore, #tpu.memory_space<semaphore_mem>>)
    %dma_wait3A = arith.constant 78 : i32
    %dma_wait3A_14 = arith.constant 0 : i32
    %dma_wait3A_15 = tpu.memref_slice %arg7[%dma_wait3A, %dma_wait3A_14] : memref<79x128xi32, #tpu.memory_space<vmem>> -> memref<1x128xi32, #tpu.memory_space<vmem>>
    %dma_wait3A_16 = tpu.memref_squeeze %dma_wait3A_15 : memref<1x128xi32, #tpu.memory_space<vmem>> -> memref<128xi32, #tpu.memory_space<vmem>>
    %dma_wait3A_17 = arith.constant 0 : i32
    %dma_wait3A_18 = arith.constant 0 : i32
    %dma_wait3A_19 = tpu.memref_slice %arg2[%dma_wait3A_17, %dma_wait3A_18] : memref<10000x128xf32, #tpu.memory_space<hbm>> -> memref<10000x128xf32, #tpu.memory_space<hbm>>
    tpu.wait_indirect_dma semaphore(%arg11 : memref<!tpu.dma_semaphore, #tpu.memory_space<semaphore_mem>>) src(%dma_wait3A_19 : memref<10000x128xf32, #tpu.memory_space<hbm>>) dst(%arg9 : memref<128x128xf32, #tpu.memory_space<vmem>>)
    %run_scoped3A = arith.constant 78 : i32
    "tpu.region"() ({
      %run_scoped3A_25 = tpu.sem_alloc : memref<!tpu.dma_semaphore, #tpu.memory_space<semaphore_mem>>
      %dma_start3A_26 = arith.constant 0 : i32
      %dma_start3A_27 = tpu.memref_slice %arg8[%run_scoped3A, %dma_start3A_26] : memref<79x128xi32, #tpu.memory_space<vmem>> -> memref<1x128xi32, #tpu.memory_space<vmem>>
      %dma_start3A_28 = tpu.memref_squeeze %dma_start3A_27 : memref<1x128xi32, #tpu.memory_space<vmem>> -> memref<128xi32, #tpu.memory_space<vmem>>
      %dma_start3A_29 = arith.constant 0 : i32
      %dma_start3A_30 = arith.constant 0 : i32
      %dma_start3A_31 = tpu.memref_slice %arg10[%dma_start3A_29, %dma_start3A_30] : memref<10112x128xf32, #tpu.memory_space<vmem_shared>> -> memref<10112x128xf32, #tpu.memory_space<vmem_shared>>
      tpu.enqueue_indirect_dma source(%arg9 : memref<128x128xf32, #tpu.memory_space<vmem>>) target(%dma_start3A_31 : memref<10112x128xf32, #tpu.memory_space<vmem_shared>>) offsets(%dma_start3A_28 : memref<128xi32, #tpu.memory_space<vmem>>) semaphore(%run_scoped3A_25 : memref<!tpu.dma_semaphore, #tpu.memory_space<semaphore_mem>>) {add = true}
      %dma_wait3A_32 = arith.constant 0 : i32
      %dma_wait3A_33 = tpu.memref_slice %arg8[%run_scoped3A, %dma_wait3A_32] : memref<79x128xi32, #tpu.memory_space<vmem>> -> memref<1x128xi32, #tpu.memory_space<vmem>>
      %dma_wait3A_34 = tpu.memref_squeeze %dma_wait3A_33 : memref<1x128xi32, #tpu.memory_space<vmem>> -> memref<128xi32, #tpu.memory_space<vmem>>
      %dma_wait3A_35 = arith.constant 0 : i32
      %dma_wait3A_36 = arith.constant 0 : i32
      %dma_wait3A_37 = tpu.memref_slice %arg10[%dma_wait3A_35, %dma_wait3A_36] : memref<10112x128xf32, #tpu.memory_space<vmem_shared>> -> memref<10112x128xf32, #tpu.memory_space<vmem_shared>>
      tpu.wait_indirect_dma semaphore(%run_scoped3A_25 : memref<!tpu.dma_semaphore, #tpu.memory_space<semaphore_mem>>) src(%arg9 : memref<128x128xf32, #tpu.memory_space<vmem>>) dst(%dma_wait3A_37 : memref<10112x128xf32, #tpu.memory_space<vmem_shared>>)
      tpu.yield
    }) : () -> ()
    %barrier3A_20 = arith.constant 0 : index
    tpu.barrier barrier_id(%barrier3A_20)
    %mul3A_21 = arith.constant 632 : i32
    %mul3A_22 = arith.muli %arg1, %mul3A_21 : i32
    %mul3A_23 = arith.constant 632 : i32
    %mul3A_24 = arith.muli %arg1, %mul3A_23 : i32
    "tpu.region"() ({
      %run_scoped3A_25 = tpu.sem_alloc : memref<!tpu.dma_semaphore, #tpu.memory_space<semaphore_mem>>
      %dma_start3A_26 = arith.constant 0 : i32
      %dma_start3A_27 = tpu.memref_slice %arg6[%arg0, %mul3A_24, %dma_start3A_26] : memref<2x10112x128xf32, #tpu.memory_space<hbm>> -> memref<1x632x128xf32, #tpu.memory_space<hbm>>
      %dma_start3A_28 = tpu.memref_squeeze %dma_start3A_27 : memref<1x632x128xf32, #tpu.memory_space<hbm>> -> memref<632x128xf32, #tpu.memory_space<hbm>>
      %dma_start3A_29 = arith.constant 0 : i32
      %dma_start3A_30 = tpu.memref_slice %arg10[%mul3A_22, %dma_start3A_29] : memref<10112x128xf32, #tpu.memory_space<vmem_shared>> -> memref<632x128xf32, #tpu.memory_space<vmem_shared>>
      tpu.enqueue_dma source(%dma_start3A_30 : memref<632x128xf32, #tpu.memory_space<vmem_shared>>) target(%dma_start3A_28 : memref<632x128xf32, #tpu.memory_space<hbm>>) target_semaphore(%run_scoped3A_25 : memref<!tpu.dma_semaphore, #tpu.memory_space<semaphore_mem>>)
      %dma_wait3A_31 = arith.constant 0 : i32
      %dma_wait3A_32 = tpu.memref_slice %arg6[%arg0, %mul3A_24, %dma_wait3A_31] : memref<2x10112x128xf32, #tpu.memory_space<hbm>> -> memref<1x632x128xf32, #tpu.memory_space<hbm>>
      %dma_wait3A_33 = tpu.memref_squeeze %dma_wait3A_32 : memref<1x632x128xf32, #tpu.memory_space<hbm>> -> memref<632x128xf32, #tpu.memory_space<hbm>>
      %dma_wait3A_34 = arith.constant 0 : i32
      %dma_wait3A_35 = tpu.memref_slice %arg10[%mul3A_22, %dma_wait3A_34] : memref<10112x128xf32, #tpu.memory_space<vmem_shared>> -> memref<632x128xf32, #tpu.memory_space<vmem_shared>>
      tpu.wait_dma2 semaphore(%run_scoped3A_25 : memref<!tpu.dma_semaphore, #tpu.memory_space<semaphore_mem>>) src(%dma_wait3A_35 : memref<632x128xf32, #tpu.memory_space<vmem_shared>>) dst(%dma_wait3A_33 : memref<632x128xf32, #tpu.memory_space<hbm>>)
      tpu.yield
    }) : () -> ()
    return
  }
}

#map = affine_map<(d0, d1) -> (0, 0, 0)>
#map1 = affine_map<(d0, d1) -> (0)>
#map2 = affine_map<(d0, d1) -> (0, 0)>
module attributes {stable_mosaic.version = 14 : i64} {
  func.func @body(%arg0: i32, %arg1: i32, %arg2: memref<32x79x128xi32, #tpu.memory_space<hbm>>, %arg3: memref<1280xf32, #tpu.memory_space<hbm>>, %arg4: memref<2x10240xf32, #tpu.memory_space<hbm>>, %arg5: memref<79x128xi32, #tpu.memory_space<vmem>>, %arg6: memref<128xf32, #tpu.memory_space<vmem>>, %arg7: memref<10240xf32, #tpu.memory_space<vmem_shared>>) attributes {dimension_semantics = [#tpu.dimension_semantics<core_parallel>, #tpu.dimension_semantics<subcore_parallel>], iteration_bounds = array<i64: 2, 16>, scalar_prefetch = 0 : i64, scratch_operands = 3 : i64, tpu.core_type = #tpu.core_type<sc_vector_subcore>, window_params = [{transform_indices = #map}, {transform_indices = #map1}, {transform_indices = #map2}]} {
    %mul3A = arith.constant 2 : i32
    %mul3A_0 = arith.muli %arg1, %mul3A : i32
    %add3A = arith.addi %mul3A_0, %arg0 : i32
    "tpu.region"() ({
      %run_scoped3A = tpu.sem_alloc : memref<!tpu.dma_semaphore, #tpu.memory_space<semaphore_mem>>
      %dma_start3A = arith.constant 0 : i32
      %dma_start3A_60 = arith.constant 0 : i32
      %dma_start3A_61 = tpu.memref_slice %arg2[%add3A, %dma_start3A, %dma_start3A_60] : memref<32x79x128xi32, #tpu.memory_space<hbm>> -> memref<1x79x128xi32, #tpu.memory_space<hbm>>
      %dma_start3A_62 = tpu.memref_squeeze %dma_start3A_61 : memref<1x79x128xi32, #tpu.memory_space<hbm>> -> memref<79x128xi32, #tpu.memory_space<hbm>>
      %dma_start3A_63 = arith.constant 0 : i32
      %dma_start3A_64 = arith.constant 0 : i32
      %dma_start3A_65 = tpu.memref_slice %arg2[%add3A, %dma_start3A_63, %dma_start3A_64] : memref<32x79x128xi32, #tpu.memory_space<hbm>> -> memref<1x79x128xi32, #tpu.memory_space<hbm>>
      %dma_start3A_66 = tpu.memref_squeeze %dma_start3A_65 : memref<1x79x128xi32, #tpu.memory_space<hbm>> -> memref<79x128xi32, #tpu.memory_space<hbm>>
      tpu.enqueue_dma source(%dma_start3A_66 : memref<79x128xi32, #tpu.memory_space<hbm>>) target(%arg5 : memref<79x128xi32, #tpu.memory_space<vmem>>) target_semaphore(%run_scoped3A : memref<!tpu.dma_semaphore, #tpu.memory_space<semaphore_mem>>)
      %dma_wait3A = arith.constant 0 : i32
      %dma_wait3A_67 = arith.constant 0 : i32
      %dma_wait3A_68 = tpu.memref_slice %arg2[%add3A, %dma_wait3A, %dma_wait3A_67] : memref<32x79x128xi32, #tpu.memory_space<hbm>> -> memref<1x79x128xi32, #tpu.memory_space<hbm>>
      %dma_wait3A_69 = tpu.memref_squeeze %dma_wait3A_68 : memref<1x79x128xi32, #tpu.memory_space<hbm>> -> memref<79x128xi32, #tpu.memory_space<hbm>>
      %dma_wait3A_70 = arith.constant 0 : i32
      %dma_wait3A_71 = arith.constant 0 : i32
      %dma_wait3A_72 = tpu.memref_slice %arg2[%add3A, %dma_wait3A_70, %dma_wait3A_71] : memref<32x79x128xi32, #tpu.memory_space<hbm>> -> memref<1x79x128xi32, #tpu.memory_space<hbm>>
      %dma_wait3A_73 = tpu.memref_squeeze %dma_wait3A_72 : memref<1x79x128xi32, #tpu.memory_space<hbm>> -> memref<79x128xi32, #tpu.memory_space<hbm>>
      tpu.wait_dma2 semaphore(%run_scoped3A : memref<!tpu.dma_semaphore, #tpu.memory_space<semaphore_mem>>) src(%dma_wait3A_73 : memref<79x128xi32, #tpu.memory_space<hbm>>) dst(%arg5 : memref<79x128xi32, #tpu.memory_space<vmem>>)
      tpu.yield
    }) : () -> ()
    %lt3A = arith.constant 8 : i32
    %lt3A_1 = arith.cmpi slt, %arg1, %lt3A : i32
    %convert_element_type3A = arith.extui %lt3A_1 : i1 to i32
    %cond3A = arith.constant 0 : i32
    %cond3A_2 = arith.cmpi ne, %convert_element_type3A, %cond3A : i32
    scf.if %cond3A_2 {
      %mul3A_60 = arith.constant 1280 : i32
      %mul3A_61 = arith.muli %arg1, %mul3A_60 : i32
      "tpu.region"() ({
        %run_scoped3A = tpu.sem_alloc : memref<!tpu.dma_semaphore, #tpu.memory_space<semaphore_mem>>
        %dma_start3A = tpu.memref_slice %arg7[%mul3A_61] : memref<10240xf32, #tpu.memory_space<vmem_shared>> -> memref<1280xf32, #tpu.memory_space<vmem_shared>>
        tpu.enqueue_dma source(%arg3 : memref<1280xf32, #tpu.memory_space<hbm>>) target(%dma_start3A : memref<1280xf32, #tpu.memory_space<vmem_shared>>) target_semaphore(%run_scoped3A : memref<!tpu.dma_semaphore, #tpu.memory_space<semaphore_mem>>)
        %dma_wait3A = tpu.memref_slice %arg7[%mul3A_61] : memref<10240xf32, #tpu.memory_space<vmem_shared>> -> memref<1280xf32, #tpu.memory_space<vmem_shared>>
        tpu.wait_dma2 semaphore(%run_scoped3A : memref<!tpu.dma_semaphore, #tpu.memory_space<semaphore_mem>>) src(%arg3 : memref<1280xf32, #tpu.memory_space<hbm>>) dst(%dma_wait3A : memref<1280xf32, #tpu.memory_space<vmem_shared>>)
        tpu.yield
      }) : () -> ()
    } else {
    }
    %broadcast_in_dim3A = arith.constant 1.000000e+00 : f32
    %broadcast_in_dim3A_3 = vector.broadcast %broadcast_in_dim3A : f32 to vector<16xf32>
    %swap3A = arith.constant 0 : index
    %swap3A_4 = tpu.vector_load %arg6[%swap3A] {strides = array<i32>} : memref<128xf32, #tpu.memory_space<vmem>>, vector<16xf32>,
    %swap3A_5 = vector.shape_cast %swap3A_4 : vector<16xf32> to vector<16xf32>
    %swap3A_6 = vector.shape_cast %broadcast_in_dim3A_3 : vector<16xf32> to vector<16xf32>
    tpu.vector_store %arg6[%swap3A], %swap3A_6 {strides = array<i32>} : memref<128xf32, #tpu.memory_space<vmem>>, vector<16xf32>,
    %broadcast_in_dim3A_7 = arith.constant 1.000000e+00 : f32
    %broadcast_in_dim3A_8 = vector.broadcast %broadcast_in_dim3A_7 : f32 to vector<16xf32>
    %swap3A_9 = arith.constant 16 : index
    %swap3A_10 = tpu.vector_load %arg6[%swap3A_9] {strides = array<i32>} : memref<128xf32, #tpu.memory_space<vmem>>, vector<16xf32>,
    %swap3A_11 = vector.shape_cast %swap3A_10 : vector<16xf32> to vector<16xf32>
    %swap3A_12 = vector.shape_cast %broadcast_in_dim3A_8 : vector<16xf32> to vector<16xf32>
    tpu.vector_store %arg6[%swap3A_9], %swap3A_12 {strides = array<i32>} : memref<128xf32, #tpu.memory_space<vmem>>, vector<16xf32>,
    %broadcast_in_dim3A_13 = arith.constant 1.000000e+00 : f32
    %broadcast_in_dim3A_14 = vector.broadcast %broadcast_in_dim3A_13 : f32 to vector<16xf32>
    %swap3A_15 = arith.constant 32 : index
    %swap3A_16 = tpu.vector_load %arg6[%swap3A_15] {strides = array<i32>} : memref<128xf32, #tpu.memory_space<vmem>>, vector<16xf32>,
    %swap3A_17 = vector.shape_cast %swap3A_16 : vector<16xf32> to vector<16xf32>
    %swap3A_18 = vector.shape_cast %broadcast_in_dim3A_14 : vector<16xf32> to vector<16xf32>
    tpu.vector_store %arg6[%swap3A_15], %swap3A_18 {strides = array<i32>} : memref<128xf32, #tpu.memory_space<vmem>>, vector<16xf32>,
    %broadcast_in_dim3A_19 = arith.constant 1.000000e+00 : f32
    %broadcast_in_dim3A_20 = vector.broadcast %broadcast_in_dim3A_19 : f32 to vector<16xf32>
    %swap3A_21 = arith.constant 48 : index
    %swap3A_22 = tpu.vector_load %arg6[%swap3A_21] {strides = array<i32>} : memref<128xf32, #tpu.memory_space<vmem>>, vector<16xf32>,
    %swap3A_23 = vector.shape_cast %swap3A_22 : vector<16xf32> to vector<16xf32>
    %swap3A_24 = vector.shape_cast %broadcast_in_dim3A_20 : vector<16xf32> to vector<16xf32>
    tpu.vector_store %arg6[%swap3A_21], %swap3A_24 {strides = array<i32>} : memref<128xf32, #tpu.memory_space<vmem>>, vector<16xf32>,
    %broadcast_in_dim3A_25 = arith.constant 1.000000e+00 : f32
    %broadcast_in_dim3A_26 = vector.broadcast %broadcast_in_dim3A_25 : f32 to vector<16xf32>
    %swap3A_27 = arith.constant 64 : index
    %swap3A_28 = tpu.vector_load %arg6[%swap3A_27] {strides = array<i32>} : memref<128xf32, #tpu.memory_space<vmem>>, vector<16xf32>,
    %swap3A_29 = vector.shape_cast %swap3A_28 : vector<16xf32> to vector<16xf32>
    %swap3A_30 = vector.shape_cast %broadcast_in_dim3A_26 : vector<16xf32> to vector<16xf32>
    tpu.vector_store %arg6[%swap3A_27], %swap3A_30 {strides = array<i32>} : memref<128xf32, #tpu.memory_space<vmem>>, vector<16xf32>,
    %broadcast_in_dim3A_31 = arith.constant 1.000000e+00 : f32
    %broadcast_in_dim3A_32 = vector.broadcast %broadcast_in_dim3A_31 : f32 to vector<16xf32>
    %swap3A_33 = arith.constant 80 : index
    %swap3A_34 = tpu.vector_load %arg6[%swap3A_33] {strides = array<i32>} : memref<128xf32, #tpu.memory_space<vmem>>, vector<16xf32>,
    %swap3A_35 = vector.shape_cast %swap3A_34 : vector<16xf32> to vector<16xf32>
    %swap3A_36 = vector.shape_cast %broadcast_in_dim3A_32 : vector<16xf32> to vector<16xf32>
    tpu.vector_store %arg6[%swap3A_33], %swap3A_36 {strides = array<i32>} : memref<128xf32, #tpu.memory_space<vmem>>, vector<16xf32>,
    %broadcast_in_dim3A_37 = arith.constant 1.000000e+00 : f32
    %broadcast_in_dim3A_38 = vector.broadcast %broadcast_in_dim3A_37 : f32 to vector<16xf32>
    %swap3A_39 = arith.constant 96 : index
    %swap3A_40 = tpu.vector_load %arg6[%swap3A_39] {strides = array<i32>} : memref<128xf32, #tpu.memory_space<vmem>>, vector<16xf32>,
    %swap3A_41 = vector.shape_cast %swap3A_40 : vector<16xf32> to vector<16xf32>
    %swap3A_42 = vector.shape_cast %broadcast_in_dim3A_38 : vector<16xf32> to vector<16xf32>
    tpu.vector_store %arg6[%swap3A_39], %swap3A_42 {strides = array<i32>} : memref<128xf32, #tpu.memory_space<vmem>>, vector<16xf32>,
    %broadcast_in_dim3A_43 = arith.constant 1.000000e+00 : f32
    %broadcast_in_dim3A_44 = vector.broadcast %broadcast_in_dim3A_43 : f32 to vector<16xf32>
    %swap3A_45 = arith.constant 112 : index
    %swap3A_46 = tpu.vector_load %arg6[%swap3A_45] {strides = array<i32>} : memref<128xf32, #tpu.memory_space<vmem>>, vector<16xf32>,
    %swap3A_47 = vector.shape_cast %swap3A_46 : vector<16xf32> to vector<16xf32>
    %swap3A_48 = vector.shape_cast %broadcast_in_dim3A_44 : vector<16xf32> to vector<16xf32>
    tpu.vector_store %arg6[%swap3A_45], %swap3A_48 {strides = array<i32>} : memref<128xf32, #tpu.memory_space<vmem>>, vector<16xf32>,
    %barrier3A = arith.constant 0 : index
    tpu.barrier barrier_id(%barrier3A)
    %scan3A = arith.constant 0 : i32
    %scan3A_49 = arith.constant 0 : i32
    %scan3A_50 = arith.constant 79 : i32
    %scan3A_51 = arith.addi %scan3A_49, %scan3A_50 : i32
    %scan3A_52 = arith.constant 1 : i32
    scf.for %scan3A_60 = %scan3A_49 to %scan3A_51 step %scan3A_52  : i32 {
      "tpu.region"() ({
        %run_scoped3A = tpu.sem_alloc : memref<!tpu.dma_semaphore, #tpu.memory_space<semaphore_mem>>
        %dma_start3A = arith.constant 0 : i32
        %dma_start3A_61 = tpu.memref_slice %arg5[%scan3A_60, %dma_start3A] : memref<79x128xi32, #tpu.memory_space<vmem>> -> memref<1x128xi32, #tpu.memory_space<vmem>>
        %dma_start3A_62 = tpu.memref_squeeze %dma_start3A_61 : memref<1x128xi32, #tpu.memory_space<vmem>> -> memref<128xi32, #tpu.memory_space<vmem>>
        %dma_start3A_63 = arith.constant 0 : i32
        %dma_start3A_64 = tpu.memref_slice %arg7[%dma_start3A_63] : memref<10240xf32, #tpu.memory_space<vmem_shared>> -> memref<10240xf32, #tpu.memory_space<vmem_shared>>
        tpu.enqueue_indirect_dma source(%arg6 : memref<128xf32, #tpu.memory_space<vmem>>) target(%dma_start3A_64 : memref<10240xf32, #tpu.memory_space<vmem_shared>>) offsets(%dma_start3A_62 : memref<128xi32, #tpu.memory_space<vmem>>) semaphore(%run_scoped3A : memref<!tpu.dma_semaphore, #tpu.memory_space<semaphore_mem>>) {add = true}
        %dma_wait3A = arith.constant 0 : i32
        %dma_wait3A_65 = tpu.memref_slice %arg5[%scan3A_60, %dma_wait3A] : memref<79x128xi32, #tpu.memory_space<vmem>> -> memref<1x128xi32, #tpu.memory_space<vmem>>
        %dma_wait3A_66 = tpu.memref_squeeze %dma_wait3A_65 : memref<1x128xi32, #tpu.memory_space<vmem>> -> memref<128xi32, #tpu.memory_space<vmem>>
        %dma_wait3A_67 = arith.constant 0 : i32
        %dma_wait3A_68 = tpu.memref_slice %arg7[%dma_wait3A_67] : memref<10240xf32, #tpu.memory_space<vmem_shared>> -> memref<10240xf32, #tpu.memory_space<vmem_shared>>
        tpu.wait_indirect_dma semaphore(%run_scoped3A : memref<!tpu.dma_semaphore, #tpu.memory_space<semaphore_mem>>) src(%arg6 : memref<128xf32, #tpu.memory_space<vmem>>) dst(%dma_wait3A_68 : memref<10240xf32, #tpu.memory_space<vmem_shared>>)
        tpu.yield
      }) : () -> ()
    }
    %scan3A_53 = arith.constant 79 : i32
    %barrier3A_54 = arith.constant 0 : index
    tpu.barrier barrier_id(%barrier3A_54)
    %lt3A_55 = arith.constant 8 : i32
    %lt3A_56 = arith.cmpi slt, %arg1, %lt3A_55 : i32
    %convert_element_type3A_57 = arith.extui %lt3A_56 : i1 to i32
    %cond3A_58 = arith.constant 0 : i32
    %cond3A_59 = arith.cmpi ne, %convert_element_type3A_57, %cond3A_58 : i32
    scf.if %cond3A_59 {
      %mul3A_60 = arith.constant 1280 : i32
      %mul3A_61 = arith.muli %arg1, %mul3A_60 : i32
      %mul3A_62 = arith.constant 1280 : i32
      %mul3A_63 = arith.muli %arg1, %mul3A_62 : i32
      "tpu.region"() ({
        %run_scoped3A = tpu.sem_alloc : memref<!tpu.dma_semaphore, #tpu.memory_space<semaphore_mem>>
        %dma_start3A = tpu.memref_slice %arg4[%arg0, %mul3A_63] : memref<2x10240xf32, #tpu.memory_space<hbm>> -> memref<1x1280xf32, #tpu.memory_space<hbm>>
        %dma_start3A_64 = tpu.memref_squeeze %dma_start3A : memref<1x1280xf32, #tpu.memory_space<hbm>> -> memref<1280xf32, #tpu.memory_space<hbm>>
        %dma_start3A_65 = tpu.memref_slice %arg7[%mul3A_61] : memref<10240xf32, #tpu.memory_space<vmem_shared>> -> memref<1280xf32, #tpu.memory_space<vmem_shared>>
        tpu.enqueue_dma source(%dma_start3A_65 : memref<1280xf32, #tpu.memory_space<vmem_shared>>) target(%dma_start3A_64 : memref<1280xf32, #tpu.memory_space<hbm>>) target_semaphore(%run_scoped3A : memref<!tpu.dma_semaphore, #tpu.memory_space<semaphore_mem>>)
        %dma_wait3A = tpu.memref_slice %arg4[%arg0, %mul3A_63] : memref<2x10240xf32, #tpu.memory_space<hbm>> -> memref<1x1280xf32, #tpu.memory_space<hbm>>
        %dma_wait3A_66 = tpu.memref_squeeze %dma_wait3A : memref<1x1280xf32, #tpu.memory_space<hbm>> -> memref<1280xf32, #tpu.memory_space<hbm>>
        %dma_wait3A_67 = tpu.memref_slice %arg7[%mul3A_61] : memref<10240xf32, #tpu.memory_space<vmem_shared>> -> memref<1280xf32, #tpu.memory_space<vmem_shared>>
        tpu.wait_dma2 semaphore(%run_scoped3A : memref<!tpu.dma_semaphore, #tpu.memory_space<semaphore_mem>>) src(%dma_wait3A_67 : memref<1280xf32, #tpu.memory_space<vmem_shared>>) dst(%dma_wait3A_66 : memref<1280xf32, #tpu.memory_space<hbm>>)
        tpu.yield
      }) : () -> ()
    } else {
    }
    return
  }
}

#map = affine_map<(d0, d1) -> (0, 0)>
#map1 = affine_map<(d0, d1) -> (0, 0, 0)>
module attributes {stable_mosaic.version = 14 : i64} {
  func.func @body(%arg0: i32, %arg1: i32, %arg2: memref<10000x128xf32, #tpu.memory_space<hbm>>, %arg3: memref<32x79x128xi32, #tpu.memory_space<hbm>>, %arg4: memref<32x79x128xi32, #tpu.memory_space<hbm>>, %arg5: memref<632x128xf32, #tpu.memory_space<hbm>>, %arg6: memref<2x10112x128xf32, #tpu.memory_space<hbm>>, %arg7: memref<79x128xi32, #tpu.memory_space<vmem>>, %arg8: memref<79x128xi32, #tpu.memory_space<vmem>>, %arg9: memref<128x128xf32, #tpu.memory_space<vmem>>, %arg10: memref<10112x128xf32, #tpu.memory_space<vmem_shared>>, %arg11: memref<!tpu.dma_semaphore, #tpu.memory_space<semaphore_mem>>) attributes {dimension_semantics = [#tpu.dimension_semantics<core_parallel>, #tpu.dimension_semantics<subcore_parallel>], iteration_bounds = array<i64: 2, 16>, scalar_prefetch = 0 : i64, scratch_operands = 5 : i64, tpu.core_type = #tpu.core_type<sc_vector_subcore>, window_params = [{transform_indices = #map}, {transform_indices = #map1}, {transform_indices = #map1}, {transform_indices = #map}, {transform_indices = #map1}]} {
    %mul3A = arith.constant 2 : i32
    %mul3A_0 = arith.muli %arg1, %mul3A : i32
    %add3A = arith.addi %mul3A_0, %arg0 : i32
    "tpu.region"() ({
      %run_scoped3A_25 = tpu.sem_alloc : memref<!tpu.dma_semaphore, #tpu.memory_space<semaphore_mem>>
      %dma_start3A_26 = arith.constant 0 : i32
      %dma_start3A_27 = arith.constant 0 : i32
      %dma_start3A_28 = tpu.memref_slice %arg3[%add3A, %dma_start3A_26, %dma_start3A_27] : memref<32x79x128xi32, #tpu.memory_space<hbm>> -> memref<1x79x128xi32, #tpu.memory_space<hbm>>
      %dma_start3A_29 = tpu.memref_squeeze %dma_start3A_28 : memref<1x79x128xi32, #tpu.memory_space<hbm>> -> memref<79x128xi32, #tpu.memory_space<hbm>>
      %dma_start3A_30 = arith.constant 0 : i32
      %dma_start3A_31 = arith.constant 0 : i32
      %dma_start3A_32 = tpu.memref_slice %arg3[%add3A, %dma_start3A_30, %dma_start3A_31] : memref<32x79x128xi32, #tpu.memory_space<hbm>> -> memref<1x79x128xi32, #tpu.memory_space<hbm>>
      %dma_start3A_33 = tpu.memref_squeeze %dma_start3A_32 : memref<1x79x128xi32, #tpu.memory_space<hbm>> -> memref<79x128xi32, #tpu.memory_space<hbm>>
      tpu.enqueue_dma source(%dma_start3A_33 : memref<79x128xi32, #tpu.memory_space<hbm>>) target(%arg7 : memref<79x128xi32, #tpu.memory_space<vmem>>) target_semaphore(%run_scoped3A_25 : memref<!tpu.dma_semaphore, #tpu.memory_space<semaphore_mem>>)
      %dma_wait3A_34 = arith.constant 0 : i32
      %dma_wait3A_35 = arith.constant 0 : i32
      %dma_wait3A_36 = tpu.memref_slice %arg3[%add3A, %dma_wait3A_34, %dma_wait3A_35] : memref<32x79x128xi32, #tpu.memory_space<hbm>> -> memref<1x79x128xi32, #tpu.memory_space<hbm>>
      %dma_wait3A_37 = tpu.memref_squeeze %dma_wait3A_36 : memref<1x79x128xi32, #tpu.memory_space<hbm>> -> memref<79x128xi32, #tpu.memory_space<hbm>>
      %dma_wait3A_38 = arith.constant 0 : i32
      %dma_wait3A_39 = arith.constant 0 : i32
      %dma_wait3A_40 = tpu.memref_slice %arg3[%add3A, %dma_wait3A_38, %dma_wait3A_39] : memref<32x79x128xi32, #tpu.memory_space<hbm>> -> memref<1x79x128xi32, #tpu.memory_space<hbm>>
      %dma_wait3A_41 = tpu.memref_squeeze %dma_wait3A_40 : memref<1x79x128xi32, #tpu.memory_space<hbm>> -> memref<79x128xi32, #tpu.memory_space<hbm>>
      tpu.wait_dma2 semaphore(%run_scoped3A_25 : memref<!tpu.dma_semaphore, #tpu.memory_space<semaphore_mem>>) src(%dma_wait3A_41 : memref<79x128xi32, #tpu.memory_space<hbm>>) dst(%arg7 : memref<79x128xi32, #tpu.memory_space<vmem>>)
      tpu.yield
    }) : () -> ()
    "tpu.region"() ({
      %run_scoped3A_25 = tpu.sem_alloc : memref<!tpu.dma_semaphore, #tpu.memory_space<semaphore_mem>>
      %dma_start3A_26 = arith.constant 0 : i32
      %dma_start3A_27 = arith.constant 0 : i32
      %dma_start3A_28 = tpu.memref_slice %arg4[%add3A, %dma_start3A_26, %dma_start3A_27] : memref<32x79x128xi32, #tpu.memory_space<hbm>> -> memref<1x79x128xi32, #tpu.memory_space<hbm>>
      %dma_start3A_29 = tpu.memref_squeeze %dma_start3A_28 : memref<1x79x128xi32, #tpu.memory_space<hbm>> -> memref<79x128xi32, #tpu.memory_space<hbm>>
      %dma_start3A_30 = arith.constant 0 : i32
      %dma_start3A_31 = arith.constant 0 : i32
      %dma_start3A_32 = tpu.memref_slice %arg4[%add3A, %dma_start3A_30, %dma_start3A_31] : memref<32x79x128xi32, #tpu.memory_space<hbm>> -> memref<1x79x128xi32, #tpu.memory_space<hbm>>
      %dma_start3A_33 = tpu.memref_squeeze %dma_start3A_32 : memref<1x79x128xi32, #tpu.memory_space<hbm>> -> memref<79x128xi32, #tpu.memory_space<hbm>>
      tpu.enqueue_dma source(%dma_start3A_33 : memref<79x128xi32, #tpu.memory_space<hbm>>) target(%arg8 : memref<79x128xi32, #tpu.memory_space<vmem>>) target_semaphore(%run_scoped3A_25 : memref<!tpu.dma_semaphore, #tpu.memory_space<semaphore_mem>>)
      %dma_wait3A_34 = arith.constant 0 : i32
      %dma_wait3A_35 = arith.constant 0 : i32
      %dma_wait3A_36 = tpu.memref_slice %arg4[%add3A, %dma_wait3A_34, %dma_wait3A_35] : memref<32x79x128xi32, #tpu.memory_space<hbm>> -> memref<1x79x128xi32, #tpu.memory_space<hbm>>
      %dma_wait3A_37 = tpu.memref_squeeze %dma_wait3A_36 : memref<1x79x128xi32, #tpu.memory_space<hbm>> -> memref<79x128xi32, #tpu.memory_space<hbm>>
      %dma_wait3A_38 = arith.constant 0 : i32
      %dma_wait3A_39 = arith.constant 0 : i32
      %dma_wait3A_40 = tpu.memref_slice %arg4[%add3A, %dma_wait3A_38, %dma_wait3A_39] : memref<32x79x128xi32, #tpu.memory_space<hbm>> -> memref<1x79x128xi32, #tpu.memory_space<hbm>>
      %dma_wait3A_41 = tpu.memref_squeeze %dma_wait3A_40 : memref<1x79x128xi32, #tpu.memory_space<hbm>> -> memref<79x128xi32, #tpu.memory_space<hbm>>
      tpu.wait_dma2 semaphore(%run_scoped3A_25 : memref<!tpu.dma_semaphore, #tpu.memory_space<semaphore_mem>>) src(%dma_wait3A_41 : memref<79x128xi32, #tpu.memory_space<hbm>>) dst(%arg8 : memref<79x128xi32, #tpu.memory_space<vmem>>)
      tpu.yield
    }) : () -> ()
    %mul3A_1 = arith.constant 632 : i32
    %mul3A_2 = arith.muli %arg1, %mul3A_1 : i32
    "tpu.region"() ({
      %run_scoped3A_25 = tpu.sem_alloc : memref<!tpu.dma_semaphore, #tpu.memory_space<semaphore_mem>>
      %dma_start3A_26 = arith.constant 0 : i32
      %dma_start3A_27 = tpu.memref_slice %arg10[%mul3A_2, %dma_start3A_26] : memref<10112x128xf32, #tpu.memory_space<vmem_shared>> -> memref<632x128xf32, #tpu.memory_space<vmem_shared>>
      tpu.enqueue_dma source(%arg5 : memref<632x128xf32, #tpu.memory_space<hbm>>) target(%dma_start3A_27 : memref<632x128xf32, #tpu.memory_space<vmem_shared>>) target_semaphore(%run_scoped3A_25 : memref<!tpu.dma_semaphore, #tpu.memory_space<semaphore_mem>>)
      %dma_wait3A_28 = arith.constant 0 : i32
      %dma_wait3A_29 = tpu.memref_slice %arg10[%mul3A_2, %dma_wait3A_28] : memref<10112x128xf32, #tpu.memory_space<vmem_shared>> -> memref<632x128xf32, #tpu.memory_space<vmem_shared>>
      tpu.wait_dma2 semaphore(%run_scoped3A_25 : memref<!tpu.dma_semaphore, #tpu.memory_space<semaphore_mem>>) src(%arg5 : memref<632x128xf32, #tpu.memory_space<hbm>>) dst(%dma_wait3A_29 : memref<632x128xf32, #tpu.memory_space<vmem_shared>>)
      tpu.yield
    }) : () -> ()
    %barrier3A = arith.constant 0 : index
    tpu.barrier barrier_id(%barrier3A)
    %scan3A = arith.constant 0 : i32
    %scan3A_3 = arith.constant 0 : i32
    %scan3A_4 = arith.constant 39 : i32
    %scan3A_5 = arith.addi %scan3A_3, %scan3A_4 : i32
    %scan3A_6 = arith.constant 1 : i32
    scf.for %scan3A_25 = %scan3A_3 to %scan3A_5 step %scan3A_6  : i32 {
      %mul3A_26 = arith.constant 2 : i32
      %mul3A_27 = arith.muli %scan3A_25, %mul3A_26 : i32
      %mul3A_28 = arith.constant 2 : i32
      %mul3A_29 = arith.muli %scan3A_25, %mul3A_28 : i32
      %add3A_30 = arith.constant 1 : i32
      %add3A_31 = arith.addi %mul3A_29, %add3A_30 : i32
      %dma_start3A_32 = arith.constant 0 : i32
      %dma_start3A_33 = tpu.memref_slice %arg7[%mul3A_27, %dma_start3A_32] : memref<79x128xi32, #tpu.memory_space<vmem>> -> memref<1x128xi32, #tpu.memory_space<vmem>>
      %dma_start3A_34 = tpu.memref_squeeze %dma_start3A_33 : memref<1x128xi32, #tpu.memory_space<vmem>> -> memref<128xi32, #tpu.memory_space<vmem>>
      %dma_start3A_35 = arith.constant 0 : i32
      %dma_start3A_36 = arith.constant 0 : i32
      %dma_start3A_37 = tpu.memref_slice %arg2[%dma_start3A_35, %dma_start3A_36] : memref<10000x128xf32, #tpu.memory_space<hbm>> -> memref<10000x128xf32, #tpu.memory_space<hbm>>
      tpu.enqueue_indirect_dma source(%dma_start3A_37 : memref<10000x128xf32, #tpu.memory_space<hbm>>) target(%arg9 : memref<128x128xf32, #tpu.memory_space<vmem>>) offsets(%dma_start3A_34 : memref<128xi32, #tpu.memory_space<vmem>>) semaphore(%arg11 : memref<!tpu.dma_semaphore, #tpu.memory_space<semaphore_mem>>)
      %dma_wait3A_38 = arith.constant 0 : i32
      %dma_wait3A_39 = tpu.memref_slice %arg7[%mul3A_27, %dma_wait3A_38] : memref<79x128xi32, #tpu.memory_space<vmem>> -> memref<1x128xi32, #tpu.memory_space<vmem>>
      %dma_wait3A_40 = tpu.memref_squeeze %dma_wait3A_39 : memref<1x128xi32, #tpu.memory_space<vmem>> -> memref<128xi32, #tpu.memory_space<vmem>>
      %dma_wait3A_41 = arith.constant 0 : i32
      %dma_wait3A_42 = arith.constant 0 : i32
      %dma_wait3A_43 = tpu.memref_slice %arg2[%dma_wait3A_41, %dma_wait3A_42] : memref<10000x128xf32, #tpu.memory_space<hbm>> -> memref<10000x128xf32, #tpu.memory_space<hbm>>
      tpu.wait_indirect_dma semaphore(%arg11 : memref<!tpu.dma_semaphore, #tpu.memory_space<semaphore_mem>>) src(%dma_wait3A_43 : memref<10000x128xf32, #tpu.memory_space<hbm>>) dst(%arg9 : memref<128x128xf32, #tpu.memory_space<vmem>>)
      "tpu.region"() ({
        %run_scoped3A_56 = tpu.sem_alloc : memref<!tpu.dma_semaphore, #tpu.memory_space<semaphore_mem>>
        %dma_start3A_57 = arith.constant 0 : i32
        %dma_start3A_58 = tpu.memref_slice %arg8[%mul3A_27, %dma_start3A_57] : memref<79x128xi32, #tpu.memory_space<vmem>> -> memref<1x128xi32, #tpu.memory_space<vmem>>
        %dma_start3A_59 = tpu.memref_squeeze %dma_start3A_58 : memref<1x128xi32, #tpu.memory_space<vmem>> -> memref<128xi32, #tpu.memory_space<vmem>>
        %dma_start3A_60 = arith.constant 0 : i32
        %dma_start3A_61 = arith.constant 0 : i32
        %dma_start3A_62 = tpu.memref_slice %arg10[%dma_start3A_60, %dma_start3A_61] : memref<10112x128xf32, #tpu.memory_space<vmem_shared>> -> memref<10112x128xf32, #tpu.memory_space<vmem_shared>>
        tpu.enqueue_indirect_dma source(%arg9 : memref<128x128xf32, #tpu.memory_space<vmem>>) target(%dma_start3A_62 : memref<10112x128xf32, #tpu.memory_space<vmem_shared>>) offsets(%dma_start3A_59 : memref<128xi32, #tpu.memory_space<vmem>>) semaphore(%run_scoped3A_56 : memref<!tpu.dma_semaphore, #tpu.memory_space<semaphore_mem>>) {add = true}
        %dma_wait3A_63 = arith.constant 0 : i32
        %dma_wait3A_64 = tpu.memref_slice %arg8[%mul3A_27, %dma_wait3A_63] : memref<79x128xi32, #tpu.memory_space<vmem>> -> memref<1x128xi32, #tpu.memory_space<vmem>>
        %dma_wait3A_65 = tpu.memref_squeeze %dma_wait3A_64 : memref<1x128xi32, #tpu.memory_space<vmem>> -> memref<128xi32, #tpu.memory_space<vmem>>
        %dma_wait3A_66 = arith.constant 0 : i32
        %dma_wait3A_67 = arith.constant 0 : i32
        %dma_wait3A_68 = tpu.memref_slice %arg10[%dma_wait3A_66, %dma_wait3A_67] : memref<10112x128xf32, #tpu.memory_space<vmem_shared>> -> memref<10112x128xf32, #tpu.memory_space<vmem_shared>>
        tpu.wait_indirect_dma semaphore(%run_scoped3A_56 : memref<!tpu.dma_semaphore, #tpu.memory_space<semaphore_mem>>) src(%arg9 : memref<128x128xf32, #tpu.memory_space<vmem>>) dst(%dma_wait3A_68 : memref<10112x128xf32, #tpu.memory_space<vmem_shared>>)
        tpu.yield
      }) : () -> ()
      %dma_start3A_44 = arith.constant 0 : i32
      %dma_start3A_45 = tpu.memref_slice %arg7[%add3A_31, %dma_start3A_44] : memref<79x128xi32, #tpu.memory_space<vmem>> -> memref<1x128xi32, #tpu.memory_space<vmem>>
      %dma_start3A_46 = tpu.memref_squeeze %dma_start3A_45 : memref<1x128xi32, #tpu.memory_space<vmem>> -> memref<128xi32, #tpu.memory_space<vmem>>
      %dma_start3A_47 = arith.constant 0 : i32
      %dma_start3A_48 = arith.constant 0 : i32
      %dma_start3A_49 = tpu.memref_slice %arg2[%dma_start3A_47, %dma_start3A_48] : memref<10000x128xf32, #tpu.memory_space<hbm>> -> memref<10000x128xf32, #tpu.memory_space<hbm>>
      tpu.enqueue_indirect_dma source(%dma_start3A_49 : memref<10000x128xf32, #tpu.memory_space<hbm>>) target(%arg9 : memref<128x128xf32, #tpu.memory_space<vmem>>) offsets(%dma_start3A_46 : memref<128xi32, #tpu.memory_space<vmem>>) semaphore(%arg11 : memref<!tpu.dma_semaphore, #tpu.memory_space<semaphore_mem>>)
      %dma_wait3A_50 = arith.constant 0 : i32
      %dma_wait3A_51 = tpu.memref_slice %arg7[%add3A_31, %dma_wait3A_50] : memref<79x128xi32, #tpu.memory_space<vmem>> -> memref<1x128xi32, #tpu.memory_space<vmem>>
      %dma_wait3A_52 = tpu.memref_squeeze %dma_wait3A_51 : memref<1x128xi32, #tpu.memory_space<vmem>> -> memref<128xi32, #tpu.memory_space<vmem>>
      %dma_wait3A_53 = arith.constant 0 : i32
      %dma_wait3A_54 = arith.constant 0 : i32
      %dma_wait3A_55 = tpu.memref_slice %arg2[%dma_wait3A_53, %dma_wait3A_54] : memref<10000x128xf32, #tpu.memory_space<hbm>> -> memref<10000x128xf32, #tpu.memory_space<hbm>>
      tpu.wait_indirect_dma semaphore(%arg11 : memref<!tpu.dma_semaphore, #tpu.memory_space<semaphore_mem>>) src(%dma_wait3A_55 : memref<10000x128xf32, #tpu.memory_space<hbm>>) dst(%arg9 : memref<128x128xf32, #tpu.memory_space<vmem>>)
      "tpu.region"() ({
        %run_scoped3A_56 = tpu.sem_alloc : memref<!tpu.dma_semaphore, #tpu.memory_space<semaphore_mem>>
        %dma_start3A_57 = arith.constant 0 : i32
        %dma_start3A_58 = tpu.memref_slice %arg8[%add3A_31, %dma_start3A_57] : memref<79x128xi32, #tpu.memory_space<vmem>> -> memref<1x128xi32, #tpu.memory_space<vmem>>
        %dma_start3A_59 = tpu.memref_squeeze %dma_start3A_58 : memref<1x128xi32, #tpu.memory_space<vmem>> -> memref<128xi32, #tpu.memory_space<vmem>>
        %dma_start3A_60 = arith.constant 0 : i32
        %dma_start3A_61 = arith.constant 0 : i32
        %dma_start3A_62 = tpu.memref_slice %arg10[%dma_start3A_60, %dma_start3A_61] : memref<10112x128xf32, #tpu.memory_space<vmem_shared>> -> memref<10112x128xf32, #tpu.memory_space<vmem_shared>>
        tpu.enqueue_indirect_dma source(%arg9 : memref<128x128xf32, #tpu.memory_space<vmem>>) target(%dma_start3A_62 : memref<10112x128xf32, #tpu.memory_space<vmem_shared>>) offsets(%dma_start3A_59 : memref<128xi32, #tpu.memory_space<vmem>>) semaphore(%run_scoped3A_56 : memref<!tpu.dma_semaphore, #tpu.memory_space<semaphore_mem>>) {add = true}
        %dma_wait3A_63 = arith.constant 0 : i32
        %dma_wait3A_64 = tpu.memref_slice %arg8[%add3A_31, %dma_wait3A_63] : memref<79x128xi32, #tpu.memory_space<vmem>> -> memref<1x128xi32, #tpu.memory_space<vmem>>
        %dma_wait3A_65 = tpu.memref_squeeze %dma_wait3A_64 : memref<1x128xi32, #tpu.memory_space<vmem>> -> memref<128xi32, #tpu.memory_space<vmem>>
        %dma_wait3A_66 = arith.constant 0 : i32
        %dma_wait3A_67 = arith.constant 0 : i32
        %dma_wait3A_68 = tpu.memref_slice %arg10[%dma_wait3A_66, %dma_wait3A_67] : memref<10112x128xf32, #tpu.memory_space<vmem_shared>> -> memref<10112x128xf32, #tpu.memory_space<vmem_shared>>
        tpu.wait_indirect_dma semaphore(%run_scoped3A_56 : memref<!tpu.dma_semaphore, #tpu.memory_space<semaphore_mem>>) src(%arg9 : memref<128x128xf32, #tpu.memory_space<vmem>>) dst(%dma_wait3A_68 : memref<10112x128xf32, #tpu.memory_space<vmem_shared>>)
        tpu.yield
      }) : () -> ()
    }
    %scan3A_7 = arith.constant 39 : i32
    %dma_start3A = arith.constant 78 : i32
    %dma_start3A_8 = arith.constant 0 : i32
    %dma_start3A_9 = tpu.memref_slice %arg7[%dma_start3A, %dma_start3A_8] : memref<79x128xi32, #tpu.memory_space<vmem>> -> memref<1x128xi32, #tpu.memory_space<vmem>>
    %dma_start3A_10 = tpu.memref_squeeze %dma_start3A_9 : memref<1x128xi32, #tpu.memory_space<vmem>> -> memref<128xi32, #tpu.memory_space<vmem>>
    %dma_start3A_11 = arith.constant 0 : i32
    %dma_start3A_12 = arith.constant 0 : i32
    %dma_start3A_13 = tpu.memref_slice %arg2[%dma_start3A_11, %dma_start3A_12] : memref<10000x128xf32, #tpu.memory_space<hbm>> -> memref<10000x128xf32, #tpu.memory_space<hbm>>
    tpu.enqueue_indirect_dma source(%dma_start3A_13 : memref<10000x128xf32, #tpu.memory_space<hbm>>) target(%arg9 : memref<128x128xf32, #tpu.memory_space<vmem>>) offsets(%dma_start3A_10 : memref<128xi32, #tpu.memory_space<vmem>>) semaphore(%arg11 : memref<!tpu.dma_semaphore, #tpu.memory_space<semaphore_mem>>)
    %dma_wait3A = arith.constant 78 : i32
    %dma_wait3A_14 = arith.constant 0 : i32
    %dma_wait3A_15 = tpu.memref_slice %arg7[%dma_wait3A, %dma_wait3A_14] : memref<79x128xi32, #tpu.memory_space<vmem>> -> memref<1x128xi32, #tpu.memory_space<vmem>>
    %dma_wait3A_16 = tpu.memref_squeeze %dma_wait3A_15 : memref<1x128xi32, #tpu.memory_space<vmem>> -> memref<128xi32, #tpu.memory_space<vmem>>
    %dma_wait3A_17 = arith.constant 0 : i32
    %dma_wait3A_18 = arith.constant 0 : i32
    %dma_wait3A_19 = tpu.memref_slice %arg2[%dma_wait3A_17, %dma_wait3A_18] : memref<10000x128xf32, #tpu.memory_space<hbm>> -> memref<10000x128xf32, #tpu.memory_space<hbm>>
    tpu.wait_indirect_dma semaphore(%arg11 : memref<!tpu.dma_semaphore, #tpu.memory_space<semaphore_mem>>) src(%dma_wait3A_19 : memref<10000x128xf32, #tpu.memory_space<hbm>>) dst(%arg9 : memref<128x128xf32, #tpu.memory_space<vmem>>)
    %run_scoped3A = arith.constant 78 : i32
    "tpu.region"() ({
      %run_scoped3A_25 = tpu.sem_alloc : memref<!tpu.dma_semaphore, #tpu.memory_space<semaphore_mem>>
      %dma_start3A_26 = arith.constant 0 : i32
      %dma_start3A_27 = tpu.memref_slice %arg8[%run_scoped3A, %dma_start3A_26] : memref<79x128xi32, #tpu.memory_space<vmem>> -> memref<1x128xi32, #tpu.memory_space<vmem>>
      %dma_start3A_28 = tpu.memref_squeeze %dma_start3A_27 : memref<1x128xi32, #tpu.memory_space<vmem>> -> memref<128xi32, #tpu.memory_space<vmem>>
      %dma_start3A_29 = arith.constant 0 : i32
      %dma_start3A_30 = arith.constant 0 : i32
      %dma_start3A_31 = tpu.memref_slice %arg10[%dma_start3A_29, %dma_start3A_30] : memref<10112x128xf32, #tpu.memory_space<vmem_shared>> -> memref<10112x128xf32, #tpu.memory_space<vmem_shared>>
      tpu.enqueue_indirect_dma source(%arg9 : memref<128x128xf32, #tpu.memory_space<vmem>>) target(%dma_start3A_31 : memref<10112x128xf32, #tpu.memory_space<vmem_shared>>) offsets(%dma_start3A_28 : memref<128xi32, #tpu.memory_space<vmem>>) semaphore(%run_scoped3A_25 : memref<!tpu.dma_semaphore, #tpu.memory_space<semaphore_mem>>) {add = true}
      %dma_wait3A_32 = arith.constant 0 : i32
      %dma_wait3A_33 = tpu.memref_slice %arg8[%run_scoped3A, %dma_wait3A_32] : memref<79x128xi32, #tpu.memory_space<vmem>> -> memref<1x128xi32, #tpu.memory_space<vmem>>
      %dma_wait3A_34 = tpu.memref_squeeze %dma_wait3A_33 : memref<1x128xi32, #tpu.memory_space<vmem>> -> memref<128xi32, #tpu.memory_space<vmem>>
      %dma_wait3A_35 = arith.constant 0 : i32
      %dma_wait3A_36 = arith.constant 0 : i32
      %dma_wait3A_37 = tpu.memref_slice %arg10[%dma_wait3A_35, %dma_wait3A_36] : memref<10112x128xf32, #tpu.memory_space<vmem_shared>> -> memref<10112x128xf32, #tpu.memory_space<vmem_shared>>
      tpu.wait_indirect_dma semaphore(%run_scoped3A_25 : memref<!tpu.dma_semaphore, #tpu.memory_space<semaphore_mem>>) src(%arg9 : memref<128x128xf32, #tpu.memory_space<vmem>>) dst(%dma_wait3A_37 : memref<10112x128xf32, #tpu.memory_space<vmem_shared>>)
      tpu.yield
    }) : () -> ()
    %barrier3A_20 = arith.constant 0 : index
    tpu.barrier barrier_id(%barrier3A_20)
    %mul3A_21 = arith.constant 632 : i32
    %mul3A_22 = arith.muli %arg1, %mul3A_21 : i32
    %mul3A_23 = arith.constant 632 : i32
    %mul3A_24 = arith.muli %arg1, %mul3A_23 : i32
    "tpu.region"() ({
      %run_scoped3A_25 = tpu.sem_alloc : memref<!tpu.dma_semaphore, #tpu.memory_space<semaphore_mem>>
      %dma_start3A_26 = arith.constant 0 : i32
      %dma_start3A_27 = tpu.memref_slice %arg6[%arg0, %mul3A_24, %dma_start3A_26] : memref<2x10112x128xf32, #tpu.memory_space<hbm>> -> memref<1x632x128xf32, #tpu.memory_space<hbm>>
      %dma_start3A_28 = tpu.memref_squeeze %dma_start3A_27 : memref<1x632x128xf32, #tpu.memory_space<hbm>> -> memref<632x128xf32, #tpu.memory_space<hbm>>
      %dma_start3A_29 = arith.constant 0 : i32
      %dma_start3A_30 = tpu.memref_slice %arg10[%mul3A_22, %dma_start3A_29] : memref<10112x128xf32, #tpu.memory_space<vmem_shared>> -> memref<632x128xf32, #tpu.memory_space<vmem_shared>>
      tpu.enqueue_dma source(%dma_start3A_30 : memref<632x128xf32, #tpu.memory_space<vmem_shared>>) target(%dma_start3A_28 : memref<632x128xf32, #tpu.memory_space<hbm>>) target_semaphore(%run_scoped3A_25 : memref<!tpu.dma_semaphore, #tpu.memory_space<semaphore_mem>>)
      %dma_wait3A_31 = arith.constant 0 : i32
      %dma_wait3A_32 = tpu.memref_slice %arg6[%arg0, %mul3A_24, %dma_wait3A_31] : memref<2x10112x128xf32, #tpu.memory_space<hbm>> -> memref<1x632x128xf32, #tpu.memory_space<hbm>>
      %dma_wait3A_33 = tpu.memref_squeeze %dma_wait3A_32 : memref<1x632x128xf32, #tpu.memory_space<hbm>> -> memref<632x128xf32, #tpu.memory_space<hbm>>
      %dma_wait3A_34 = arith.constant 0 : i32
      %dma_wait3A_35 = tpu.memref_slice %arg10[%mul3A_22, %dma_wait3A_34] : memref<10112x128xf32, #tpu.memory_space<vmem_shared>> -> memref<632x128xf32, #tpu.memory_space<vmem_shared>>
      tpu.wait_dma2 semaphore(%run_scoped3A_25 : memref<!tpu.dma_semaphore, #tpu.memory_space<semaphore_mem>>) src(%dma_wait3A_35 : memref<632x128xf32, #tpu.memory_space<vmem_shared>>) dst(%dma_wait3A_33 : memref<632x128xf32, #tpu.memory_space<hbm>>)
      tpu.yield
    }) : () -> ()
    return
  }
}

module attributes {stable_mosaic.version = 14 : i64} {
  func.func @_mm_body(%arg0: i32, %arg1: memref<2000x128xf32, #tpu.memory_space<vmem>>, %arg2: memref<128x128xf32, #tpu.memory_space<vmem>>, %arg3: memref<2000x128xf32, #tpu.memory_space<vmem>>) attributes {dimension_semantics = [#tpu.dimension_semantics<arbitrary>], iteration_bounds = array<i64: 5>, scalar_prefetch = 0 : i64, scratch_operands = 0 : i64, tpu.core_type = #tpu.core_type<tc>, window_params = [{transform_indices = @transform_0, window_bounds = array<i64: 2000, 128>}, {pipeline_mode = #tpu.pipeline_mode<synchronous>, transform_indices = @transform_1, window_bounds = array<i64: 128, 128>}, {transform_indices = @transform_2, window_bounds = array<i64: 2000, 128>}]} {
    %get3A = arith.constant 0 : index
    %get3A_0 = arith.constant 0 : index
    %get3A_1 = vector.load %arg1[%get3A, %get3A_0] : memref<2000x128xf32, #tpu.memory_space<vmem>>, vector<2000x128xf32>
    %get3A_2 = arith.constant 0 : index
    %get3A_3 = arith.constant 0 : index
    %get3A_4 = vector.load %arg2[%get3A_2, %get3A_3] : memref<128x128xf32, #tpu.memory_space<vmem>>, vector<128x128xf32>
    %dot_general3A = arith.constant dense<0.000000e+00> : vector<2000x128xf32>
    %dot_general3A_5 = tpu.matmul %get3A_1, %get3A_4, %dot_general3A {dimension_numbers = #tpu.dot_dimension_numbers<[1], [0], [0], [1], [0, 0, 1, 1], [], []>, transpose_lhs_hint = false} : vector<2000x128xf32>, vector<128x128xf32>, vector<2000x128xf32> -> vector<2000x128xf32>
    %swap3A = arith.constant 0 : index
    %swap3A_6 = arith.constant 0 : index
    %swap3A_7 = vector.load %arg3[%swap3A, %swap3A_6] : memref<2000x128xf32, #tpu.memory_space<vmem>>, vector<2000x128xf32>
    tpu.vector_store %arg3[%swap3A, %swap3A_6], %dot_general3A_5 {strides = array<i32>} : memref<2000x128xf32, #tpu.memory_space<vmem>>, vector<2000x128xf32>,
    return
  }
  func.func @transform_0(%arg0: i32) -> (i32, i32) {
    %c0_i32 = arith.constant 0 : i32
    %c0_i32_0 = arith.constant 0 : i32
    return %arg0, %c0_i32 : i32, i32
  }
  func.func @transform_1(%arg0: i32) -> (i32, i32) {
    %c0_i32 = arith.constant 0 : i32
    %c0_i32_0 = arith.constant 0 : i32
    %c0_i32_1 = arith.constant 0 : i32
    return %c0_i32, %c0_i32_0 : i32, i32
  }
  func.func @transform_2(%arg0: i32) -> (i32, i32) {
    %c0_i32 = arith.constant 0 : i32
    %c0_i32_0 = arith.constant 0 : i32
    return %arg0, %c0_i32 : i32, i32
  }
}

module attributes {stable_mosaic.version = 14 : i64} {
  func.func @_tc_mid_body(%arg0: i32, %arg1: memref<2x2000x128xf32, #tpu.memory_space<vmem>>, %arg2: memref<2000x2xf32, #tpu.memory_space<vmem>>, %arg3: memref<2000x128xf32, #tpu.memory_space<vmem>>, %arg4: memref<128x128xf32, #tpu.memory_space<vmem>>, %arg5: memref<1x128xf32, #tpu.memory_space<vmem>>, %arg6: memref<128x128xf32, #tpu.memory_space<vmem>>, %arg7: memref<2000x128xf32, #tpu.memory_space<vmem>>, %arg8: memref<2000x128xf32, #tpu.memory_space<vmem>>) attributes {dimension_semantics = [#tpu.dimension_semantics<arbitrary>], iteration_bounds = array<i64: 5>, scalar_prefetch = 0 : i64, scratch_operands = 0 : i64, tpu.core_type = #tpu.core_type<tc>, window_params = [{transform_indices = @transform_0, window_bounds = array<i64: 2, 2000, 128>}, {transform_indices = @transform_1, window_bounds = array<i64: 2000, 2>}, {transform_indices = @transform_2, window_bounds = array<i64: 2000, 128>}, {pipeline_mode = #tpu.pipeline_mode<synchronous>, transform_indices = @transform_3, window_bounds = array<i64: 128, 128>}, {pipeline_mode = #tpu.pipeline_mode<synchronous>, transform_indices = @transform_4, window_bounds = array<i64: 1, 128>}, {pipeline_mode = #tpu.pipeline_mode<synchronous>, transform_indices = @transform_5, window_bounds = array<i64: 128, 128>}, {transform_indices = @transform_6, window_bounds = array<i64: 2000, 128>}, {transform_indices = @transform_7, window_bounds = array<i64: 2000, 128>}]} {
    %get3A = arith.constant 0 : index
    %get3A_0 = arith.constant 0 : index
    %get3A_1 = vector.load %arg2[%get3A, %get3A_0] : memref<2000x2xf32, #tpu.memory_space<vmem>>, vector<2000x1xf32>
    %get3A_2 = arith.constant 0 : index
    %get3A_3 = arith.constant 1 : index
    %get3A_4 = vector.load %arg2[%get3A_2, %get3A_3] : memref<2000x2xf32, #tpu.memory_space<vmem>>, vector<2000x1xf32>
    %add3A = arith.addf %get3A_1, %get3A_4 : vector<2000x1xf32>
    %max3A = arith.constant 1.000000e+00 : f32
    %max3A_5 = vector.broadcast %max3A : f32 to vector<2000x1xf32>
    %max3A_6 = arith.maximumf %add3A, %max3A_5 : vector<2000x1xf32>
    %div3A = arith.constant 1.000000e+00 : f32
    %div3A_7 = vector.broadcast %div3A : f32 to vector<2000x1xf32>
    %div3A_8 = arith.divf %div3A_7, %max3A_6 : vector<2000x1xf32>
    %get3A_9 = arith.constant 0 : index
    %get3A_10 = arith.constant 0 : index
    %get3A_11 = arith.constant 0 : index
    %get3A_12 = vector.load %arg1[%get3A_9, %get3A_10, %get3A_11] : memref<2x2000x128xf32, #tpu.memory_space<vmem>>, vector<1x2000x128xf32>
    %get3A_13 = vector.shape_cast %get3A_12 : vector<1x2000x128xf32> to vector<2000x128xf32>
    %get3A_14 = arith.constant 1 : index
    %get3A_15 = arith.constant 0 : index
    %get3A_16 = arith.constant 0 : index
    %get3A_17 = vector.load %arg1[%get3A_14, %get3A_15, %get3A_16] : memref<2x2000x128xf32, #tpu.memory_space<vmem>>, vector<1x2000x128xf32>
    %get3A_18 = vector.shape_cast %get3A_17 : vector<1x2000x128xf32> to vector<2000x128xf32>
    %add3A_19 = arith.addf %get3A_13, %get3A_18 : vector<2000x128xf32>
    %mul3A = vector.broadcast %div3A_8 : vector<2000x1xf32> to vector<2000x128xf32>
    %mul3A_20 = arith.mulf %add3A_19, %mul3A : vector<2000x128xf32>
    %get3A_21 = arith.constant 0 : index
    %get3A_22 = arith.constant 0 : index
    %get3A_23 = vector.load %arg3[%get3A_21, %get3A_22] : memref<2000x128xf32, #tpu.memory_space<vmem>>, vector<2000x128xf32>
    %get3A_24 = arith.constant 0 : index
    %get3A_25 = arith.constant 0 : index
    %get3A_26 = vector.load %arg4[%get3A_24, %get3A_25] : memref<128x128xf32, #tpu.memory_space<vmem>>, vector<128x128xf32>
    %dot_general3A = arith.constant dense<0.000000e+00> : vector<2000x128xf32>
    %dot_general3A_27 = tpu.matmul %get3A_23, %get3A_26, %dot_general3A {dimension_numbers = #tpu.dot_dimension_numbers<[1], [0], [0], [1], [0, 0, 1, 1], [], []>, transpose_lhs_hint = false} : vector<2000x128xf32>, vector<128x128xf32>, vector<2000x128xf32> -> vector<2000x128xf32>
    %add3A_28 = arith.addf %mul3A_20, %dot_general3A_27 : vector<2000x128xf32>
    %get3A_29 = arith.constant 0 : index
    %get3A_30 = arith.constant 0 : index
    %get3A_31 = vector.load %arg5[%get3A_29, %get3A_30] : memref<1x128xf32, #tpu.memory_space<vmem>>, vector<1x128xf32>
    %add3A_32 = vector.broadcast %get3A_31 : vector<1x128xf32> to vector<2000x128xf32>
    %add3A_33 = arith.addf %add3A_28, %add3A_32 : vector<2000x128xf32>
    %max3A_34 = arith.constant 0.000000e+00 : f32
    %max3A_35 = vector.broadcast %max3A_34 : f32 to vector<2000x128xf32>
    %max3A_36 = arith.maximumf %add3A_33, %max3A_35 : vector<2000x128xf32>
    %swap3A = arith.constant 0 : index
    %swap3A_37 = arith.constant 0 : index
    %swap3A_38 = vector.load %arg7[%swap3A, %swap3A_37] : memref<2000x128xf32, #tpu.memory_space<vmem>>, vector<2000x128xf32>
    tpu.vector_store %arg7[%swap3A, %swap3A_37], %max3A_36 {strides = array<i32>} : memref<2000x128xf32, #tpu.memory_space<vmem>>, vector<2000x128xf32>,
    %get3A_39 = arith.constant 0 : index
    %get3A_40 = arith.constant 0 : index
    %get3A_41 = vector.load %arg6[%get3A_39, %get3A_40] : memref<128x128xf32, #tpu.memory_space<vmem>>, vector<128x128xf32>
    %dot_general3A_42 = arith.constant dense<0.000000e+00> : vector<2000x128xf32>
    %dot_general3A_43 = tpu.matmul %max3A_36, %get3A_41, %dot_general3A_42 {dimension_numbers = #tpu.dot_dimension_numbers<[1], [0], [0], [1], [0, 0, 1, 1], [], []>, transpose_lhs_hint = false} : vector<2000x128xf32>, vector<128x128xf32>, vector<2000x128xf32> -> vector<2000x128xf32>
    %swap3A_44 = arith.constant 0 : index
    %swap3A_45 = arith.constant 0 : index
    %swap3A_46 = vector.load %arg8[%swap3A_44, %swap3A_45] : memref<2000x128xf32, #tpu.memory_space<vmem>>, vector<2000x128xf32>
    tpu.vector_store %arg8[%swap3A_44, %swap3A_45], %dot_general3A_43 {strides = array<i32>} : memref<2000x128xf32, #tpu.memory_space<vmem>>, vector<2000x128xf32>,
    return
  }
  func.func @transform_0(%arg0: i32) -> (i32, i32, i32) {
    %c0_i32 = arith.constant 0 : i32
    %c0_i32_0 = arith.constant 0 : i32
    %c0_i32_1 = arith.constant 0 : i32
    return %c0_i32, %arg0, %c0_i32_0 : i32, i32, i32
  }
  func.func @transform_1(%arg0: i32) -> (i32, i32) {
    %c0_i32 = arith.constant 0 : i32
    %c0_i32_0 = arith.constant 0 : i32
    return %arg0, %c0_i32 : i32, i32
  }
  func.func @transform_2(%arg0: i32) -> (i32, i32) {
    %c0_i32 = arith.constant 0 : i32
    %c0_i32_0 = arith.constant 0 : i32
    return %arg0, %c0_i32 : i32, i32
  }
  func.func @transform_3(%arg0: i32) -> (i32, i32) {
    %c0_i32 = arith.constant 0 : i32
    %c0_i32_0 = arith.constant 0 : i32
    %c0_i32_1 = arith.constant 0 : i32
    return %c0_i32, %c0_i32_0 : i32, i32
  }
  func.func @transform_4(%arg0: i32) -> (i32, i32) {
    %c0_i32 = arith.constant 0 : i32
    %c0_i32_0 = arith.constant 0 : i32
    %c0_i32_1 = arith.constant 0 : i32
    return %c0_i32, %c0_i32_0 : i32, i32
  }
  func.func @transform_5(%arg0: i32) -> (i32, i32) {
    %c0_i32 = arith.constant 0 : i32
    %c0_i32_0 = arith.constant 0 : i32
    %c0_i32_1 = arith.constant 0 : i32
    return %c0_i32, %c0_i32_0 : i32, i32
  }
  func.func @transform_6(%arg0: i32) -> (i32, i32) {
    %c0_i32 = arith.constant 0 : i32
    %c0_i32_0 = arith.constant 0 : i32
    return %arg0, %c0_i32 : i32, i32
  }
  func.func @transform_7(%arg0: i32) -> (i32, i32) {
    %c0_i32 = arith.constant 0 : i32
    %c0_i32_0 = arith.constant 0 : i32
    return %arg0, %c0_i32 : i32, i32
  }
}

module attributes {stable_mosaic.version = 14 : i64} {
  func.func @_tc_out_body(%arg0: i32, %arg1: memref<2x2000x128xf32, #tpu.memory_space<vmem>>, %arg2: memref<2000x2xf32, #tpu.memory_space<vmem>>, %arg3: memref<2000x128xf32, #tpu.memory_space<vmem>>, %arg4: memref<128x128xf32, #tpu.memory_space<vmem>>, %arg5: memref<1x128xf32, #tpu.memory_space<vmem>>, %arg6: memref<2000x128xf32, #tpu.memory_space<vmem>>) attributes {dimension_semantics = [#tpu.dimension_semantics<arbitrary>], iteration_bounds = array<i64: 5>, scalar_prefetch = 0 : i64, scratch_operands = 0 : i64, tpu.core_type = #tpu.core_type<tc>, window_params = [{transform_indices = @transform_0, window_bounds = array<i64: 2, 2000, 128>}, {transform_indices = @transform_1, window_bounds = array<i64: 2000, 2>}, {transform_indices = @transform_2, window_bounds = array<i64: 2000, 128>}, {pipeline_mode = #tpu.pipeline_mode<synchronous>, transform_indices = @transform_3, window_bounds = array<i64: 128, 128>}, {pipeline_mode = #tpu.pipeline_mode<synchronous>, transform_indices = @transform_4, window_bounds = array<i64: 1, 128>}, {transform_indices = @transform_5, window_bounds = array<i64: 2000, 128>}]} {
    %get3A = arith.constant 0 : index
    %get3A_0 = arith.constant 0 : index
    %get3A_1 = vector.load %arg2[%get3A, %get3A_0] : memref<2000x2xf32, #tpu.memory_space<vmem>>, vector<2000x1xf32>
    %get3A_2 = arith.constant 0 : index
    %get3A_3 = arith.constant 1 : index
    %get3A_4 = vector.load %arg2[%get3A_2, %get3A_3] : memref<2000x2xf32, #tpu.memory_space<vmem>>, vector<2000x1xf32>
    %add3A = arith.addf %get3A_1, %get3A_4 : vector<2000x1xf32>
    %max3A = arith.constant 1.000000e+00 : f32
    %max3A_5 = vector.broadcast %max3A : f32 to vector<2000x1xf32>
    %max3A_6 = arith.maximumf %add3A, %max3A_5 : vector<2000x1xf32>
    %div3A = arith.constant 1.000000e+00 : f32
    %div3A_7 = vector.broadcast %div3A : f32 to vector<2000x1xf32>
    %div3A_8 = arith.divf %div3A_7, %max3A_6 : vector<2000x1xf32>
    %get3A_9 = arith.constant 0 : index
    %get3A_10 = arith.constant 0 : index
    %get3A_11 = arith.constant 0 : index
    %get3A_12 = vector.load %arg1[%get3A_9, %get3A_10, %get3A_11] : memref<2x2000x128xf32, #tpu.memory_space<vmem>>, vector<1x2000x128xf32>
    %get3A_13 = vector.shape_cast %get3A_12 : vector<1x2000x128xf32> to vector<2000x128xf32>
    %get3A_14 = arith.constant 1 : index
    %get3A_15 = arith.constant 0 : index
    %get3A_16 = arith.constant 0 : index
    %get3A_17 = vector.load %arg1[%get3A_14, %get3A_15, %get3A_16] : memref<2x2000x128xf32, #tpu.memory_space<vmem>>, vector<1x2000x128xf32>
    %get3A_18 = vector.shape_cast %get3A_17 : vector<1x2000x128xf32> to vector<2000x128xf32>
    %add3A_19 = arith.addf %get3A_13, %get3A_18 : vector<2000x128xf32>
    %mul3A = vector.broadcast %div3A_8 : vector<2000x1xf32> to vector<2000x128xf32>
    %mul3A_20 = arith.mulf %add3A_19, %mul3A : vector<2000x128xf32>
    %get3A_21 = arith.constant 0 : index
    %get3A_22 = arith.constant 0 : index
    %get3A_23 = vector.load %arg3[%get3A_21, %get3A_22] : memref<2000x128xf32, #tpu.memory_space<vmem>>, vector<2000x128xf32>
    %get3A_24 = arith.constant 0 : index
    %get3A_25 = arith.constant 0 : index
    %get3A_26 = vector.load %arg4[%get3A_24, %get3A_25] : memref<128x128xf32, #tpu.memory_space<vmem>>, vector<128x128xf32>
    %dot_general3A = arith.constant dense<0.000000e+00> : vector<2000x128xf32>
    %dot_general3A_27 = tpu.matmul %get3A_23, %get3A_26, %dot_general3A {dimension_numbers = #tpu.dot_dimension_numbers<[1], [0], [0], [1], [0, 0, 1, 1], [], []>, transpose_lhs_hint = false} : vector<2000x128xf32>, vector<128x128xf32>, vector<2000x128xf32> -> vector<2000x128xf32>
    %add3A_28 = arith.addf %mul3A_20, %dot_general3A_27 : vector<2000x128xf32>
    %get3A_29 = arith.constant 0 : index
    %get3A_30 = arith.constant 0 : index
    %get3A_31 = vector.load %arg5[%get3A_29, %get3A_30] : memref<1x128xf32, #tpu.memory_space<vmem>>, vector<1x128xf32>
    %add3A_32 = vector.broadcast %get3A_31 : vector<1x128xf32> to vector<2000x128xf32>
    %add3A_33 = arith.addf %add3A_28, %add3A_32 : vector<2000x128xf32>
    %swap3A = arith.constant 0 : index
    %swap3A_34 = arith.constant 0 : index
    %swap3A_35 = vector.load %arg6[%swap3A, %swap3A_34] : memref<2000x128xf32, #tpu.memory_space<vmem>>, vector<2000x128xf32>
    tpu.vector_store %arg6[%swap3A, %swap3A_34], %add3A_33 {strides = array<i32>} : memref<2000x128xf32, #tpu.memory_space<vmem>>, vector<2000x128xf32>,
    return
  }
  func.func @transform_0(%arg0: i32) -> (i32, i32, i32) {
    %c0_i32 = arith.constant 0 : i32
    %c0_i32_0 = arith.constant 0 : i32
    %c0_i32_1 = arith.constant 0 : i32
    return %c0_i32, %arg0, %c0_i32_0 : i32, i32, i32
  }
  func.func @transform_1(%arg0: i32) -> (i32, i32) {
    %c0_i32 = arith.constant 0 : i32
    %c0_i32_0 = arith.constant 0 : i32
    return %arg0, %c0_i32 : i32, i32
  }
  func.func @transform_2(%arg0: i32) -> (i32, i32) {
    %c0_i32 = arith.constant 0 : i32
    %c0_i32_0 = arith.constant 0 : i32
    return %arg0, %c0_i32 : i32, i32
  }
  func.func @transform_3(%arg0: i32) -> (i32, i32) {
    %c0_i32 = arith.constant 0 : i32
    %c0_i32_0 = arith.constant 0 : i32
    %c0_i32_1 = arith.constant 0 : i32
    return %c0_i32, %c0_i32_0 : i32, i32
  }
  func.func @transform_4(%arg0: i32) -> (i32, i32) {
    %c0_i32 = arith.constant 0 : i32
    %c0_i32_0 = arith.constant 0 : i32
    %c0_i32_1 = arith.constant 0 : i32
    return %c0_i32, %c0_i32_0 : i32, i32
  }
  func.func @transform_5(%arg0: i32) -> (i32, i32) {
    %c0_i32 = arith.constant 0 : i32
    %c0_i32_0 = arith.constant 0 : i32
    return %arg0, %c0_i32 : i32, i32
  }
}

</mosaic_0001>

<sc_bundles>
// kernel: kernel.11.cloned.1.call-start
scs
__scs_entry_jumppad:
0x0: {  	(pc) =	sbr.rel $0x88, $3  }
0x1: {  	(tag) =	ssettag $0x0;
	lr =	simm.s32 $0x1  }
0x2: {  	[smem:$0x3F99] =	sst lr;
	_ =	strace $0xD0000000  }
0x3: {  	_ = 	snop  }
0x4: {  	_ = 	snop  }
0x5: {  	_ = 	snop  }
0x6: {  	_ = 	snop  }
0x7: {  	_ = 	snop  }
__scs_overlays_trampoline_lowered:
0x8: {  	[smem:$0x3FA8] =	sst s0  }
0x9: {  	[smem:$0x3FA9] =	sst s1  }
0xa: {  	[smem:$0x3FAA] =	sst s2  }
0xb: {  	[smem:$0x3FAB] =	sst s3  }
0xc: {  	[smem:$0x3FAC] =	sst s4  }
0xd: {  	[smem:$0x3FAD] =	sst s5  }
0xe: {  	[smem:$0x3FAE] =	sst s6  }
0xf: {  	[smem:$0x3FAF] =	sst s7  }
0x10: {  	[smem:$0x3FB0] =	sst s8  }
0x11: {  	[smem:$0x3FB1] =	sst s9;
	s0 =	simm.s32 @!p0 $0x0  }
0x12: {  	s1 =	sld [smem:$0x3F97];
	s0 =	simm.s32 @p0 $0x1  }
0x13: {  	[smem:$0x3FB2] =	sst s0;
	s0 =	simm.s32 @!p1 $0x0  }
0x14: {  	s2 =	sld [smem:$0x3F96];
	s0 =	simm.s32 @p1 $0x1  }
0x15: {  	[smem:$0x3FB3] =	sst s0;
	s0 =	simm.s32 @!p2 $0x0  }
0x16: {  	s3 =	sld [smem:$0x3FDB];
	s0 =	simm.s32 @p2 $0x1  }
0x17: {  	s4 =	simm.s32 $0x1BF5;
	[smem:$0x3FB5] =	sst s0  }
0x18: {  	s0 =	sld [smem:$0x3F98];
	_ =	swait.ge [sflag:s4], $0x0  }
0x19: {  	s7 =	sld [smem:$0x3F99]  }
0x1a: {  	s8 =	sadd.s32 $0xFFFFE003, lr  }
0x1b: {  	s9 =	sadd.s32 $0xFFFFFEF7, lr;
	s5 =	simm.s32 $0xFFFFFFFF;
	p2 =	slt.u32 s8, $0xFFFFF086  }
0x1c: {  	p1 =	slt.u32 s9, $0xF7A;
	s5 =	simm.s32 @!p2 $0x0  }
0x1d: {  	s5 =	simm.s32 @p1 $0x1;
	p0 =	seq.s32 s7, s2  }
0x1e: {  	s7 =	smul.u32 @!p0 $0xF7A, s2;
	p2 =	seq.s32 @!p0 s5, $0x0  }
0x1f: {  	s9 =	smul.u32 $0xF7A, s1;
	s8 =	simm.s32 @!p0 $0x1BF5;
	p2 =	por !p2, p0  }
0x20: {  	[sflag:s8] =	ssyncset.s32 @!p0 $0xFFFFF086;
	s6 =	sadd.s32 @!p0 s3, s7;
	s7 =	simm.s32 @!p0 $0x108  }
0x21: {  	s3 =	sadd.s32 s3, s9;
	s6 =	sadd.s32 @!p0 $0x88, s6;
	s7 =	simm.s32 @p2 $0x1082  }
0x22: {  	[simem:s7], [sflag:s8] =	dma.local @!p0 [hbm:s6], $0xF7A  }
0x23: {  	s9 =	sor.u32 $0xD0000000, s2;
	s6 =	simm.s32 $0x108;
	_ =	swait.ge @!p0 [sflag:s8], $0x0  }
0x24: {  	s3 =	sadd.s32 $0x88, s3;
	s6 =	simm.s32 @!p1 $0x1082;
	[sflag:s4] =	ssyncset.s32 $0xFFFFF086  }
0x25: {  	[simem:s6], [sflag:s4] =	dma.local [hbm:s3], $0xF7A  }
0x26: {  	[smem:$0x3F99] =	sst s1;
	(tag) =	ssettag s2;
	_ =	strace s9  }
0x27: {  	s1 =	sld [smem:$0x3FA9]  }
0x28: {  	s2 =	sld [smem:$0x3FAA]  }
0x29: {  	s4 =	sld [smem:$0x3FAC]  }
0x2a: {  	p0 =	seq.s32 s5, $0x0;
	s5 =	sld [smem:$0x3FAD]  }
0x2b: {  	s6 =	sld [smem:$0x3FAE]  }
0x2c: {  	s7 =	sld [smem:$0x3FAF]  }
0x2d: {  	s3 =	simm.s32 $0x108;
	s8 =	sld [smem:$0x3FB0]  }
0x2e: {  	s3 =	simm.s32 @!p0 $0x1082;
	s9 =	sld [smem:$0x3FB1]  }
0x2f: {  	lr =	sadd.s32 s0, s3;
	s0 =	sld [smem:$0x3FA8]  }
0x30: {  	s3 =	sld [smem:$0x3FAB]  }
0x31: {  	[smem:$0x3FB4] =	sst s10  }
0x32: {  	s10 =	sld [smem:$0x3FB2];
	_ =	sdelay $0x3  }
0x33: {  	p0 =	seq.s32 s10, $0x1;
	s10 =	sld [smem:$0x3FB4];
	_ =	sdelay $0x3  }
0x34: {  	[smem:$0x3FB4] =	sst s10  }
0x35: {  	s10 =	sld [smem:$0x3FB3];
	_ =	sdelay $0x3  }
0x36: {  	p1 =	seq.s32 s10, $0x1;
	s10 =	sld [smem:$0x3FB4];
	_ =	sdelay $0x3  }
0x37: {  	[smem:$0x3FB4] =	sst s10  }
0x38: {  	s10 =	sld [smem:$0x3FB5]  }
0x39: {  	_ = 	snop;
	(pc) =	sbr.ind lr, $3  }
0x3a: {  	_ = 	snop  }
0x3b: {  	_ = 	snop  }
0x3c: {  	p2 =	seq.s32 s10, $0x1;
	s10 =	sld [smem:$0x3FB4]  }
0x3d: {  	_ =	shalt  }
0x3e: {  	_ =	shalt  }
0x3f: {  	_ =	shalt  }
0x40: {  	_ =	shalt  }
0x41: {  	_ =	shalt  }
0x42: {  	_ =	shalt  }
0x43: {  	_ =	shalt  }
0x44: {  	_ =	shalt  }
0x45: {  	_ =	shalt  }
0x46: {  	_ =	shalt  }
0x47: {  	_ =	shalt  }
0x48: {  	_ =	shalt  }
0x49: {  	_ =	shalt  }
0x4a: {  	_ =	shalt  }
0x4b: {  	_ =	shalt  }
0x4c: {  	_ =	shalt  }
0x4d: {  	_ =	shalt  }
0x4e: {  	_ =	shalt  }
0x4f: {  	_ =	shalt  }
0x50: {  	_ =	shalt  }
0x51: {  	_ =	shalt  }
0x52: {  	_ =	shalt  }
0x53: {  	_ =	shalt  }
0x54: {  	_ =	shalt  }
0x55: {  	_ =	shalt  }
0x56: {  	_ =	shalt  }
0x57: {  	_ =	shalt  }
0x58: {  	_ =	shalt  }
0x59: {  	_ =	shalt  }
0x5a: {  	_ =	shalt  }
0x5b: {  	_ =	shalt  }
0x5c: {  	_ =	shalt  }
0x5d: {  	_ =	shalt  }
0x5e: {  	_ =	shalt  }
0x5f: {  	_ =	shalt  }
0x60: {  	_ =	shalt  }
0x61: {  	_ =	shalt  }
0x62: {  	_ =	shalt  }
0x63: {  	_ =	shalt  }
0x64: {  	_ =	shalt  }
0x65: {  	_ =	shalt  }
0x66: {  	_ =	shalt  }
0x67: {  	_ =	shalt  }
0x68: {  	_ =	shalt  }
0x69: {  	_ =	shalt  }
0x6a: {  	_ =	shalt  }
0x6b: {  	_ =	shalt  }
0x6c: {  	_ =	shalt  }
0x6d: {  	_ =	shalt  }
0x6e: {  	_ =	shalt  }
0x6f: {  	_ =	shalt  }
0x70: {  	_ =	shalt  }
0x71: {  	_ =	shalt  }
0x72: {  	_ =	shalt  }
0x73: {  	_ =	shalt  }
0x74: {  	_ =	shalt  }
0x75: {  	_ =	shalt  }
0x76: {  	_ =	shalt  }
0x77: {  	_ =	shalt  }
0x78: {  	_ =	shalt  }
0x79: {  	_ =	shalt  }
0x7a: {  	_ =	shalt  }
0x7b: {  	_ =	shalt  }
0x7c: {  	_ =	shalt  }
0x7d: {  	_ =	shalt  }
0x7e: {  	_ =	shalt  }
0x7f: {  	_ =	shalt  }
0x80: {  	_ =	shalt  }
0x81: {  	_ =	shalt  }
0x82: {  	_ =	shalt  }
0x83: {  	_ =	shalt  }
0x84: {  	_ =	shalt  }
0x85: {  	_ =	shalt  }
0x86: {  	_ =	shalt  }
0x87: {  	_ =	shalt  }
.Lfunc_end0:
.L_simem_size_0:
called_computation.1_lowered:
.L_overlay_start_0:
0x88: {  	s2 =	sld [smem:$0x3FD9]  }
0x89: {  	s3 =	sld [smem:$0x3FFE];
	_ =	sdelay $0x1  }
0x8a: {  	s1 =	srdreg.scid  }
0x8b: {  	s0 =	sand.u32 $0x1, s1  }
0x8c: {  	s17 =	sshll.u32 s0, $0xA;
	s2 =	sadd.s32 s3, s2  }
0x8d: {  	s2 =	sadd.s32 s2, s17  }
0x8e: {  	[smem:$0x3FC0] =	sst s2  }
0x8f: {  	_ = 	snop  }
0x90: {  	s18 =	sld [smem:$0x3FD0];
	(tm) =	ssettm $0x1  }
0x91: {  	s19 =	sld [smem:$0x3FFB];
	_ =	sdelay $0x3  }
0x92: {  	_ =	strace s19  }
0x93: {  	s2 =	sld [smem:$0x3FFC];
	_ =	sdelay $0x3  }
0x94: {  	_ =	strace s2  }
0x95: {  	s2 =	sld [smem:$0x3FFD];
	_ =	sdelay $0x3  }
0x96: {  	_ =	strace s2  }
0x97: {  	_ =	strace $0x8FFFFFFF  }
0x98: {  	s20 =	sld [smem:$0x3FDB];
	_ =	sdelay $0x1  }
0x99: {  	s4 =	simm.s32 $_scs_section_size  }
0x9a: {  	s5 =	simm.s32 $_size__tile_overlayer_lowered;
	s6 =	simm.s32 $_tile_overlayer_lowered  }
0x9b: {  	s7 =	simm.s32 $0x1BFF;
	s21 =	sshll.u32 s6, $0x1;
	s4 =	sadd.s32 s4, s20  }
0x9c: {  	s22 =	simm.s32 $0x0;
	s5 =	sshll.u32 s5, $0x1;
	s6 =	sadd.s32 s21, s4  }
0x9d: {  	[timem:s22], [sflag:s7] =	dma.local [hbm:s6], s5  }
0x9e: {  	_ =	swait.ge [sflag:s7], s5  }
0x9f: {  	s5 =	ssub.s32 $0x0, s5;
	[sflag:s7] =	ssyncset.done $0x0  }
0xa0: {  	[sflag:s7] =	ssyncadd.s32 s5;
	_ =	sdelay $0x1  }
0xa1: {  	s23 =	simm.s32 $0x1B8B  }
0xa2: {  	_ =	swait.ge [sflag:s23], $0x1  }
0xa3: {  	[sflag:s23] =	ssyncset.done $0x0  }
0xa4: {  	[sflag:s23] =	ssyncadd.s32 $0xFFFFFFFF  }
0xa5: {  	s5 =	sld [smem:$0x0]  }
0xa6: {  	s6 =	sand.u32 $0xFFFFFFFE, s1  }
0xa7: {  	p0 =	sne.s32 s1, s6  }
0xa8: {  	s6 =	sshll.u32 @p0 s6, $0xE  }
0xa9: {  	s6 =	sadd.s32 @p0 $0x11B8D, s6;
	s7 =	sshll.u32 @p0 s5, $0x11  }
0xaa: {  	s6 =	sor.u32 @p0 s7, s6  }
0xab: {  	[sflag:s6] =	ssyncadd.remote.s32 @p0 $0x1;
	_ =	sdelay $0x1  }
0xac: {  	s6 =	simm.s32 @p0 $0x1B8D  }
0xad: {  	_ =	swait.eq @p0 [sflag:s6], $0x1  }
0xae: {  	[sflag:s6] =	ssyncadd.s32 @p0 $0xFFFFFFFF  }
0xaf: {  	s7 =	sshll.u32 @!p0 s1, $0xE  }
0xb0: {  	s7 =	sor.u32 @!p0 $0x4000, s7;
	s6 =	simm.s32 @!p0 $0x1B8D  }
0xb1: {  	s5 =	sshll.u32 @!p0 s5, $0x11;
	s7 =	sadd.s32 @!p0 $0x11B8D, s7;
	_ =	swait.eq @!p0 [sflag:s6], $0x1  }
0xb2: {  	s5 =	sor.u32 @!p0 s5, s7;
	[sflag:s6] =	ssyncadd.s32 @!p0 $0xFFFFFFFF  }
0xb3: {  	s25 =	simm.s32 $0x1B8E;
	s24 =	sld [smem:$0x3FFE];
	[sflag:s5] =	ssyncadd.remote.s32 @!p0 $0x1  }
0xb4: {  	s26 =	simm.s32 $execute0_lowered;
	[smem:$0x3FD2] =	sst s25  }
0xb5: {  	s6 =	sshll.u32 s26, $0x1;
	_ =	strace $0x80000049;
	[dreg:$0x1] =	wrdreg $0xFFFFFFFF  }
0xb6: {  	s28 =	simm.s32 $_size_execute0_lowered;
	s4 =	sadd.s32 s4, s6;
	[dreg:$0x0] =	wrdreg $0x0  }
0xb7: {  	s6 =	sshll.u32 s28, $0x1;
	[dreg:$0x2] =	wrdreg s4  }
0xb8: {  	[dreg:$0x3] =	wrdreg s6  }
0xb9: {  	[dreg:$0x4] =	wrdreg $0xC0  }
0xba: {  	_ =	task [dreg:s22], $0x5FFFF  }
0xbb: {  	[dreg:$0x1] =	wrdreg $0xFFFFFFFF  }
0xbc: {  	[dreg:$0x0] =	wrdreg $0x60  }
0xbd: {  	[dreg:$0x2] =	wrdreg s18  }
0xbe: {  	[dreg:$0x3] =	wrdreg s24  }
0xbf: {  	[dreg:$0x4] =	wrdreg $0x90000  }
0xc0: {  	[dreg:$0x5] =	wrdreg $0xA  }
0xc1: {  	_ =	task.clear_ibuf [dreg:s22], $0x6FFFF;
	_ =	strace $0x90000049  }
0xc2: {  	s29 =	simm.s32 $0xA;
	_ =	strace $0x8000004B  }
0xc3: {  	_ =	swait.ge [sflag:s29], $0x1  }
0xc4: {  	[sflag:s29] =	ssyncadd.s32 $0xFFFFFFFF  }
0xc5: {  	_ =	strace $0x9000004B  }
0xc6: {  	_ =	sfence  }
0xc7: {  	s30 =	sld [smem:$0x0];
	_ =	sdelay $0x2  }
0xc8: {  	s31 =	sshll.u32 s1, $0xD;
	s1 =	sshrl.u32 s1, $0x2  }
0xc9: {  	s4 =	sand.u32 $0x4000, s31;
	s1 =	sadd.s32 s1, s30  }
0xca: {  	s0 =	sor.u32 s4, s0;
	s1 =	sshll.u32 s1, $0x11  }
0xcb: {  	s0 =	sor.u32 s1, s0  }
0xcc: {  	s0 =	sadd.s32 $0x8F2B, s0  }
0xcd: {  	[sflag:s0] =	ssyncadd.remote.s32 $0x1  }
0xce: {  	_ =	sfence.sel $0xFFFF  }
0xcf: {  	[dreg:$0x0] =	wrdreg $0xFFFFFFFF;
	(pc) =	sbr.abs _section_cstart, $3  }
0xd0: {  	[dreg:$0x1] =	wrdreg $0xFFFFFFFF  }
0xd1: {  	_ =	task.clear_ibuf [dreg:s22], $0x2FFFF;
	_ =	strace $0x9FFFFFFF  }
0xd2: {  	(tm) =	ssettm $0x7FFFFFFF  }
0xd3: {  	_ =	shalt  }
tec
execute0_lowered:
.L_overlay_start_1:
0x0: {  	(tag) =	ssettag $0x1  }
0x1: {  	s2 =	rddreg [dreg:$0x0]  }
0x2: {  	s1 =	srdreg.scid;
	s6 =	rddreg [dreg:$0x1]  }
0x3: {  	s0 =	stileid.u32;
	s3 =	rddreg [dreg:$0x2]  }
0x4: {  	s4 =	simm.s32 $0x0;
	s11 =	simm.s32 $0x2800;
	s14 =	simm.s32 $0x80  }
0x5: {  	s15 =	simm.s32 $0x5000;
	s16 =	simm.s32 $0x1;
	s17 =	simm.s32 $0x2700  }
0x6: {  	s18 =	simm.s32 $0x4F00;
	s19 =	simm.s32 $0x0;
	s5 =	sand.u32 $0x1, s1  }
0x7: {  	s29 =	sshll.u32 s0, $0x1;
	s9 =	smul.u32 $0x13C00, s0;
	[smem:$0x7FF] =	sst s4  }
0x8: {  	s10 =	smul.u32 $0x4F000, s0;
	s12 =	sshll.u32 s0, $0x6;
	s1 =	sor.u32 s5, s29  }
0x9: {  	s8 =	smul.u32 $0x13C000, s5;
	s30 =	ssub.s32 $0x2, s5;
	s5 =	sadd.s32 $0x16C00, s6  }
0xa: {  	s12 =	sor.u32 $0x1C02, s12;
	s7 =	smul.u32 $0x500, s1;
	s1 =	rddreg [dreg:$0x3]  }
0xb: {  	_ =	strace $0x8000004A;
	s31 =	sshrl.u32 s30, $0x1;
	s10 =	sshrl.u32 s10, $0x2  }
0xc: {  	s8 =	sadd.s32 s9, s8;
	s9 =	ssub.s32 s30, s31;
	s13 =	sadd.s32 s10, s3  }
0xd: {  	s10 =	simm.s32 $0x2;
	s7 =	sadd.s32 s7, s6;
	s8 =	sshrl.u32 s8, $0x3  }
0xe: {  	s9 =	smax.u32 s9, $0x1;
	s13 =	sshrl.u32 s13, $0x3;
	s8 =	sadd.s32 s8, s6  }
0xf: {  	s6 =	sadd.s32 $0xCC00, s7;
	s7 =	sadd.s32 $0x2000, s7;
	s8 =	sadd.s32 $0x19400, s8  }
.LBB2_1:
0x10: {  	[tilespmem:s4], [sflag:$0x2] =	stream.linear.gather [hbm4b:s6+s4], $0x2780, $0x38;
	[tilespmem:$0x1CC00] =	vst v63  }
0x11: {  	_ =	swait.ge [sflag:s10], $0x2780  }
0x12: {  	[sflag:s10] =	ssyncset.done $0x0  }
0x13: {  	[sflag:s10] =	ssyncadd.s32 $0xFFFFD880  }
0x14: {  	[tilespmem:s11], [sflag:$0x2] =	stream.linear.gather [hbm4b:s7+s4], $0x2780, $0x38;
	[tilespmem:$0x1CC00] =	vst v63  }
0x15: {  	_ =	swait.ge [sflag:s10], $0x2780  }
0x16: {  	[sflag:s10] =	ssyncset.done $0x0  }
0x17: {  	[sflag:s10] =	ssyncadd.s32 $0xFFFFD880  }
0x18: {  	[spmem:s13], [sflag:s12] =	dma.local [hbm:s5], $0x2780  }
0x19: {  	_ =	swait.ge [sflag:s10], $0x2780  }
0x1a: {  	[sflag:s10] =	ssyncset.done $0x0  }
0x1b: {  	[sflag:s10] =	ssyncadd.s32 $0xFFFFD880  }
0x1c: {  	s20 =	simm.s32 $0x0;
	[bflag:$0x0] =	sbarrier.arrive $0xFFFF  }
0x1d: {  	[tilespmem:s15], [sflag:$0x1] =	stream.indirect.gather [hbm4b:s2+s14], $0x80, s20, s14, $0xb8;
	[tilespmem:$0x1CC00] =	vst v63  }
0x1e: {  	_ =	swait.ge [sflag:s16], $0x4000  }
0x1f: {  	[sflag:s16] =	ssyncset.done $0x0  }
0x20: {  	s29 =	simm.s32 $0x2800;
	[sflag:s16] =	ssyncadd.s32 $0xFFFFC000  }
0x21: {  	[spmem:s3] =	stream.indirect.scatter.add.f32 [tilespmem:s15], [sflag:$0x2], $0x80, s29, s14, $0xb8;
	[tilespmem:$0x1CC00] =	vst v63  }
0x22: {  	_ =	swait.ge [sflag:s10], $0x4000  }
0x23: {  	[sflag:s10] =	ssyncset.done $0x0  }
0x24: {  	s30 =	simm.s32 $0x80;
	[sflag:s10] =	ssyncadd.s32 $0xFFFFC000  }
0x25: {  	[tilespmem:s15], [sflag:$0x1] =	stream.indirect.gather [hbm4b:s2+s14], $0x80, s30, s14, $0xb8;
	[tilespmem:$0x1CC00] =	vst v63  }
0x26: {  	_ =	swait.ge [sflag:s16], $0x4000  }
0x27: {  	[sflag:s16] =	ssyncset.done $0x0  }
0x28: {  	s31 =	simm.s32 $0x2880;
	[sflag:s16] =	ssyncadd.s32 $0xFFFFC000  }
0x29: {  	[spmem:s3] =	stream.indirect.scatter.add.f32 [tilespmem:s15], [sflag:$0x2], $0x80, s31, s14, $0xb8;
	[tilespmem:$0x1CC00] =	vst v63  }
0x2a: {  	_ =	swait.ge [sflag:s10], $0x4000  }
0x2b: {  	s21 =	simm.s32 $0x800;
	s20 =	simm.s32 $0x400;
	[sflag:s10] =	ssyncset.done $0x0  }
.LBB2_2:
0x2c: {  	s22 =	sshra.s32 s20, $0x2  }
0x2d: {  	[sflag:s10] =	ssyncadd.s32 $0xFFFFC000;
	s20 =	smov.u32 s21;
	s23 =	sadd.s32 $0x400, s21  }
0x2e: {  	[tilespmem:s15], [sflag:$0x1] =	stream.indirect.gather [hbm4b:s2+s14], $0x80, s22, s14, $0xb8;
	[tilespmem:$0x1CC00] =	vst v63  }
0x2f: {  	p0 =	sne.s32 s21, $0x9800;
	_ =	swait.ge [sflag:s16], $0x4000  }
0x30: {  	[sflag:s16] =	ssyncset.done $0x0  }
0x31: {  	s21 =	sadd.s32 $0x2800, s22;
	[sflag:s16] =	ssyncadd.s32 $0xFFFFC000  }
0x32: {  	[spmem:s3] =	stream.indirect.scatter.add.f32 [tilespmem:s15], [sflag:$0x2], $0x80, s21, s14, $0xb8;
	[tilespmem:$0x1CC00] =	vst v63  }
0x33: {  	_ =	swait.ge [sflag:s10], $0x4000  }
0x34: {  	[sflag:s10] =	ssyncset.done $0x0  }
0x35: {  	s21 =	sadd.s32 $0x80, s22;
	[sflag:s10] =	ssyncadd.s32 $0xFFFFC000  }
0x36: {  	[tilespmem:s15], [sflag:$0x1] =	stream.indirect.gather [hbm4b:s2+s14], $0x80, s21, s14, $0xb8;
	[tilespmem:$0x1CC00] =	vst v63  }
0x37: {  	_ =	swait.ge [sflag:s16], $0x4000  }
.Ltmp0:
0x38: {  	[sflag:s16] =	ssyncset.done $0x0;
	(pc) =	sbr.rel @p0 .LBB2_2-.Ltmp0, $4  }
0x39: {  	s21 =	sadd.s32 $0x2880, s22;
	[sflag:s16] =	ssyncadd.s32 $0xFFFFC000  }
0x3a: {  	[spmem:s3] =	stream.indirect.scatter.add.f32 [tilespmem:s15], [sflag:$0x2], $0x80, s21, s14, $0xb8;
	[tilespmem:$0x1CC00] =	vst v63  }
0x3b: {  	_ =	swait.ge [sflag:s10], $0x4000  }
0x3c: {  	s21 =	smov.u32 s23;
	[sflag:s10] =	ssyncset.done $0x0  }
0x3d: {  	s20 =	sshra.s32 s20, $0x2;
	[sflag:s10] =	ssyncadd.s32 $0xFFFFC000  }
0x3e: {  	[tilespmem:s15], [sflag:$0x1] =	stream.indirect.gather [hbm4b:s2+s14], $0x80, s20, s14, $0xb8;
	[tilespmem:$0x1CC00] =	vst v63  }
0x3f: {  	_ =	swait.ge [sflag:s16], $0x4000  }
0x40: {  	[sflag:s16] =	ssyncset.done $0x0  }
0x41: {  	s21 =	sadd.s32 $0x2800, s20;
	[sflag:s16] =	ssyncadd.s32 $0xFFFFC000  }
0x42: {  	[spmem:s3] =	stream.indirect.scatter.add.f32 [tilespmem:s15], [sflag:$0x2], $0x80, s21, s14, $0xb8;
	[tilespmem:$0x1CC00] =	vst v63  }
0x43: {  	_ =	swait.ge [sflag:s10], $0x4000  }
0x44: {  	[sflag:s10] =	ssyncset.done $0x0  }
0x45: {  	s31 =	sadd.s32 $0x80, s20;
	[sflag:s10] =	ssyncadd.s32 $0xFFFFC000  }
0x46: {  	[tilespmem:s15], [sflag:$0x1] =	stream.indirect.gather [hbm4b:s2+s14], $0x80, s31, s14, $0xb8;
	[tilespmem:$0x1CC00] =	vst v63  }
0x47: {  	_ =	swait.ge [sflag:s16], $0x4000  }
0x48: {  	[sflag:s16] =	ssyncset.done $0x0  }
0x49: {  	s20 =	sadd.s32 $0x2880, s20;
	[sflag:s16] =	ssyncadd.s32 $0xFFFFC000  }
0x4a: {  	[spmem:s3] =	stream.indirect.scatter.add.f32 [tilespmem:s15], [sflag:$0x2], $0x80, s20, s14, $0xb8;
	[tilespmem:$0x1CC00] =	vst v63  }
0x4b: {  	_ =	swait.ge [sflag:s10], $0x4000  }
0x4c: {  	[sflag:s10] =	ssyncset.done $0x0  }
0x4d: {  	[sflag:s10] =	ssyncadd.s32 $0xFFFFC000  }
0x4e: {  	[tilespmem:s15], [sflag:$0x1] =	stream.indirect.gather [hbm4b:s2+s14], $0x80, s17, s14, $0xb8;
	[tilespmem:$0x1CC00] =	vst v63  }
0x4f: {  	_ =	swait.ge [sflag:s16], $0x4000  }
0x50: {  	[sflag:s16] =	ssyncset.done $0x0  }
0x51: {  	[sflag:s16] =	ssyncadd.s32 $0xFFFFC000  }
0x52: {  	[spmem:s3] =	stream.indirect.scatter.add.f32 [tilespmem:s15], [sflag:$0x2], $0x80, s18, s14, $0xb8;
	[tilespmem:$0x1CC00] =	vst v63  }
0x53: {  	_ =	swait.ge [sflag:s10], $0x4000  }
0x54: {  	s19 =	sadd.s32 $0x1, s19;
	[sflag:s10] =	ssyncset.done $0x0  }
0x55: {  	p0 =	sne.s32 s19, s9;
	[sflag:s10] =	ssyncadd.s32 $0xFFFFC000  }
.Ltmp1:
0x56: {  	[bflag:$0x0] =	sbarrier.arrive $0xFFFF;
	(pc) =	sbr.rel @p0 .LBB2_1-.Ltmp1, $4  }
0x57: {  	[hbm:s8], [sflag:s12] =	dma.local [spmem:s13], $0x2780  }
0x58: {  	_ =	swait.ge [sflag:s10], $0x2780  }
0x59: {  	[sflag:s10] =	ssyncset.done $0x0  }
0x5a: {  	[sflag:s10] =	ssyncadd.s32 $0xFFFFD880  }
0x5b: {  	_ =	sfence.sel $0x180000  }
0x5c: {  	[bflag:$0x0] =	sbarrier.arrive $0xFFFF  }
0x5d: {  	p0 =	sne.s32 s0, $0x0;
	_ =	strace $0x9000004A  }
0x5e: {  	s0 =	sadd.s32 @!p0 $0x100000, s1;
	[bflag:$0x2] =	sbarrier.arrive $0xFFFF  }
0x5f: {  	[sflag:s0] =	ssyncadd.tile.s32 @!p0 $0x1;
	_ =	shalt  }
.Lfunc_end2:
_tile_overlayer_lowered:
.L_overlay_start_2:
0x60: {  	(tag) =	ssettag $0x2  }
0x61: {  	s0 =	rddreg [dreg:$0x0];
	s2 =	stileid.u32  }
0x62: {  	s1 =	rddreg [dreg:$0x1];
	p0 =	sne.s32 s2, $0x0  }
0x63: {  	s3 =	rddreg [dreg:$0x2];
	[bflag:$0x3] =	sbarrier.arrive $0xFFFF;
	s2 =	simm.s32 @!p0 $0x1C02  }
0x64: {  	[timem:s3], [sflag:s2] =	dma.local @!p0 [hbm:s0], s1  }
0x65: {  	s0 =	simm.s32 @!p0 $0x2  }
0x66: {  	_ =	swait.ge @!p0 [sflag:s0], s1  }
0x67: {  	s1 =	ssub.s32 @!p0 $0x0, s1;
	[sflag:s0] =	ssyncset.done @!p0 $0x0  }
0x68: {  	[sflag:s0] =	ssyncadd.s32 @!p0 s1  }
0x69: {  	[bflag:$0x3] =	sbarrier.arrive $0xFFFF  }
0x6a: {  	_ =	shalt  }

// kernel: kernel.14.cloned.1.call-start
scs
__scs_entry_jumppad:
0x0: {  	(pc) =	sbr.rel $0x88, $3  }
0x1: {  	(tag) =	ssettag $0x0;
	lr =	simm.s32 $0x1  }
0x2: {  	[smem:$0x3F99] =	sst lr;
	_ =	strace $0xD0000000  }
0x3: {  	_ = 	snop  }
0x4: {  	_ = 	snop  }
0x5: {  	_ = 	snop  }
0x6: {  	_ = 	snop  }
0x7: {  	_ = 	snop  }
__scs_overlays_trampoline_lowered:
0x8: {  	[smem:$0x3FA8] =	sst s0  }
0x9: {  	[smem:$0x3FA9] =	sst s1  }
0xa: {  	[smem:$0x3FAA] =	sst s2  }
0xb: {  	[smem:$0x3FAB] =	sst s3  }
0xc: {  	[smem:$0x3FAC] =	sst s4  }
0xd: {  	[smem:$0x3FAD] =	sst s5  }
0xe: {  	[smem:$0x3FAE] =	sst s6  }
0xf: {  	[smem:$0x3FAF] =	sst s7  }
0x10: {  	[smem:$0x3FB0] =	sst s8  }
0x11: {  	[smem:$0x3FB1] =	sst s9;
	s0 =	simm.s32 @!p0 $0x0  }
0x12: {  	s1 =	sld [smem:$0x3F97];
	s0 =	simm.s32 @p0 $0x1  }
0x13: {  	[smem:$0x3FB2] =	sst s0;
	s0 =	simm.s32 @!p1 $0x0  }
0x14: {  	s2 =	sld [smem:$0x3F96];
	s0 =	simm.s32 @p1 $0x1  }
0x15: {  	[smem:$0x3FB3] =	sst s0;
	s0 =	simm.s32 @!p2 $0x0  }
0x16: {  	s3 =	sld [smem:$0x3FDB];
	s0 =	simm.s32 @p2 $0x1  }
0x17: {  	s4 =	simm.s32 $0x1BF5;
	[smem:$0x3FB5] =	sst s0  }
0x18: {  	s0 =	sld [smem:$0x3F98];
	_ =	swait.ge [sflag:s4], $0x0  }
0x19: {  	s7 =	sld [smem:$0x3F99]  }
0x1a: {  	s8 =	sadd.s32 $0xFFFFE003, lr  }
0x1b: {  	s9 =	sadd.s32 $0xFFFFFEF7, lr;
	s5 =	simm.s32 $0xFFFFFFFF;
	p2 =	slt.u32 s8, $0xFFFFF086  }
0x1c: {  	p1 =	slt.u32 s9, $0xF7A;
	s5 =	simm.s32 @!p2 $0x0  }
0x1d: {  	s5 =	simm.s32 @p1 $0x1;
	p0 =	seq.s32 s7, s2  }
0x1e: {  	s7 =	smul.u32 @!p0 $0xF7A, s2;
	p2 =	seq.s32 @!p0 s5, $0x0  }
0x1f: {  	s9 =	smul.u32 $0xF7A, s1;
	s8 =	simm.s32 @!p0 $0x1BF5;
	p2 =	por !p2, p0  }
0x20: {  	[sflag:s8] =	ssyncset.s32 @!p0 $0xFFFFF086;
	s6 =	sadd.s32 @!p0 s3, s7;
	s7 =	simm.s32 @!p0 $0x108  }
0x21: {  	s3 =	sadd.s32 s3, s9;
	s6 =	sadd.s32 @!p0 $0x88, s6;
	s7 =	simm.s32 @p2 $0x1082  }
0x22: {  	[simem:s7], [sflag:s8] =	dma.local @!p0 [hbm:s6], $0xF7A  }
0x23: {  	s9 =	sor.u32 $0xD0000000, s2;
	s6 =	simm.s32 $0x108;
	_ =	swait.ge @!p0 [sflag:s8], $0x0  }
0x24: {  	s3 =	sadd.s32 $0x88, s3;
	s6 =	simm.s32 @!p1 $0x1082;
	[sflag:s4] =	ssyncset.s32 $0xFFFFF086  }
0x25: {  	[simem:s6], [sflag:s4] =	dma.local [hbm:s3], $0xF7A  }
0x26: {  	[smem:$0x3F99] =	sst s1;
	(tag) =	ssettag s2;
	_ =	strace s9  }
0x27: {  	s1 =	sld [smem:$0x3FA9]  }
0x28: {  	s2 =	sld [smem:$0x3FAA]  }
0x29: {  	s4 =	sld [smem:$0x3FAC]  }
0x2a: {  	p0 =	seq.s32 s5, $0x0;
	s5 =	sld [smem:$0x3FAD]  }
0x2b: {  	s6 =	sld [smem:$0x3FAE]  }
0x2c: {  	s7 =	sld [smem:$0x3FAF]  }
0x2d: {  	s3 =	simm.s32 $0x108;
	s8 =	sld [smem:$0x3FB0]  }
0x2e: {  	s3 =	simm.s32 @!p0 $0x1082;
	s9 =	sld [smem:$0x3FB1]  }
0x2f: {  	lr =	sadd.s32 s0, s3;
	s0 =	sld [smem:$0x3FA8]  }
0x30: {  	s3 =	sld [smem:$0x3FAB]  }
0x31: {  	[smem:$0x3FB4] =	sst s10  }
0x32: {  	s10 =	sld [smem:$0x3FB2];
	_ =	sdelay $0x3  }
0x33: {  	p0 =	seq.s32 s10, $0x1;
	s10 =	sld [smem:$0x3FB4];
	_ =	sdelay $0x3  }
0x34: {  	[smem:$0x3FB4] =	sst s10  }
0x35: {  	s10 =	sld [smem:$0x3FB3];
	_ =	sdelay $0x3  }
0x36: {  	p1 =	seq.s32 s10, $0x1;
	s10 =	sld [smem:$0x3FB4];
	_ =	sdelay $0x3  }
0x37: {  	[smem:$0x3FB4] =	sst s10  }
0x38: {  	s10 =	sld [smem:$0x3FB5]  }
0x39: {  	_ = 	snop;
	(pc) =	sbr.ind lr, $3  }
0x3a: {  	_ = 	snop  }
0x3b: {  	_ = 	snop  }
0x3c: {  	p2 =	seq.s32 s10, $0x1;
	s10 =	sld [smem:$0x3FB4]  }
0x3d: {  	_ =	shalt  }
0x3e: {  	_ =	shalt  }
0x3f: {  	_ =	shalt  }
0x40: {  	_ =	shalt  }
0x41: {  	_ =	shalt  }
0x42: {  	_ =	shalt  }
0x43: {  	_ =	shalt  }
0x44: {  	_ =	shalt  }
0x45: {  	_ =	shalt  }
0x46: {  	_ =	shalt  }
0x47: {  	_ =	shalt  }
0x48: {  	_ =	shalt  }
0x49: {  	_ =	shalt  }
0x4a: {  	_ =	shalt  }
0x4b: {  	_ =	shalt  }
0x4c: {  	_ =	shalt  }
0x4d: {  	_ =	shalt  }
0x4e: {  	_ =	shalt  }
0x4f: {  	_ =	shalt  }
0x50: {  	_ =	shalt  }
0x51: {  	_ =	shalt  }
0x52: {  	_ =	shalt  }
0x53: {  	_ =	shalt  }
0x54: {  	_ =	shalt  }
0x55: {  	_ =	shalt  }
0x56: {  	_ =	shalt  }
0x57: {  	_ =	shalt  }
0x58: {  	_ =	shalt  }
0x59: {  	_ =	shalt  }
0x5a: {  	_ =	shalt  }
0x5b: {  	_ =	shalt  }
0x5c: {  	_ =	shalt  }
0x5d: {  	_ =	shalt  }
0x5e: {  	_ =	shalt  }
0x5f: {  	_ =	shalt  }
0x60: {  	_ =	shalt  }
0x61: {  	_ =	shalt  }
0x62: {  	_ =	shalt  }
0x63: {  	_ =	shalt  }
0x64: {  	_ =	shalt  }
0x65: {  	_ =	shalt  }
0x66: {  	_ =	shalt  }
0x67: {  	_ =	shalt  }
0x68: {  	_ =	shalt  }
0x69: {  	_ =	shalt  }
0x6a: {  	_ =	shalt  }
0x6b: {  	_ =	shalt  }
0x6c: {  	_ =	shalt  }
0x6d: {  	_ =	shalt  }
0x6e: {  	_ =	shalt  }
0x6f: {  	_ =	shalt  }
0x70: {  	_ =	shalt  }
0x71: {  	_ =	shalt  }
0x72: {  	_ =	shalt  }
0x73: {  	_ =	shalt  }
0x74: {  	_ =	shalt  }
0x75: {  	_ =	shalt  }
0x76: {  	_ =	shalt  }
0x77: {  	_ =	shalt  }
0x78: {  	_ =	shalt  }
0x79: {  	_ =	shalt  }
0x7a: {  	_ =	shalt  }
0x7b: {  	_ =	shalt  }
0x7c: {  	_ =	shalt  }
0x7d: {  	_ =	shalt  }
0x7e: {  	_ =	shalt  }
0x7f: {  	_ =	shalt  }
0x80: {  	_ =	shalt  }
0x81: {  	_ =	shalt  }
0x82: {  	_ =	shalt  }
0x83: {  	_ =	shalt  }
0x84: {  	_ =	shalt  }
0x85: {  	_ =	shalt  }
0x86: {  	_ =	shalt  }
0x87: {  	_ =	shalt  }
.Lfunc_end0:
.L_simem_size_0:
called_computation.2_lowered:
.L_overlay_start_0:
0x88: {  	s2 =	sld [smem:$0x3FD9]  }
0x89: {  	s3 =	sld [smem:$0x3FFE];
	_ =	sdelay $0x1  }
0x8a: {  	s1 =	srdreg.scid  }
0x8b: {  	s0 =	sand.u32 $0x1, s1  }
0x8c: {  	s17 =	sshll.u32 s0, $0xA;
	s2 =	sadd.s32 s3, s2  }
0x8d: {  	s2 =	sadd.s32 s2, s17  }
0x8e: {  	[smem:$0x3FC0] =	sst s2  }
0x8f: {  	_ = 	snop  }
0x90: {  	s2 =	sld [smem:$0x3FD0];
	(tm) =	ssettm $0x1  }
0x91: {  	s18 =	sld [smem:$0x3FFB];
	_ =	sdelay $0x3  }
0x92: {  	_ =	strace s18  }
0x93: {  	s3 =	sld [smem:$0x3FFC];
	_ =	sdelay $0x3  }
0x94: {  	_ =	strace s3  }
0x95: {  	s3 =	sld [smem:$0x3FFD];
	_ =	sdelay $0x3  }
0x96: {  	_ =	strace s3  }
0x97: {  	_ =	strace $0x8FFFFFFF  }
0x98: {  	s19 =	sld [smem:$0x3FDB];
	_ =	sdelay $0x1  }
0x99: {  	s4 =	simm.s32 $_scs_section_size  }
0x9a: {  	s5 =	simm.s32 $_size__tile_overlayer_lowered;
	s6 =	simm.s32 $_tile_overlayer_lowered  }
0x9b: {  	s22 =	simm.s32 $0x1BFF;
	s21 =	sshll.u32 s6, $0x1;
	s3 =	sadd.s32 s4, s19  }
0x9c: {  	s7 =	simm.s32 $0x0;
	s20 =	sshll.u32 s5, $0x1;
	s5 =	sadd.s32 s21, s3  }
0x9d: {  	[timem:s7], [sflag:s22] =	dma.local [hbm:s5], s20  }
0x9e: {  	_ =	swait.ge [sflag:s22], s20  }
0x9f: {  	s4 =	ssub.s32 $0x0, s20;
	[sflag:s22] =	ssyncset.done $0x0  }
0xa0: {  	[sflag:s22] =	ssyncadd.s32 s4;
	_ =	sdelay $0x1  }
0xa1: {  	s23 =	simm.s32 $0x1B8B  }
0xa2: {  	_ =	swait.ge [sflag:s23], $0x1  }
0xa3: {  	[sflag:s23] =	ssyncset.done $0x0  }
0xa4: {  	s25 =	simm.s32 $0x1B8E;
	s24 =	sld [smem:$0x3FFE];
	[sflag:s23] =	ssyncadd.s32 $0xFFFFFFFF  }
0xa5: {  	s26 =	simm.s32 $execute0_lowered;
	[smem:$0x3FD2] =	sst s25  }
0xa6: {  	s5 =	sshll.u32 s26, $0x1;
	_ =	strace $0x8000004C;
	[dreg:$0x1] =	wrdreg $0xFFFFFFFF  }
0xa7: {  	s28 =	simm.s32 $_size_execute0_lowered;
	s3 =	sadd.s32 s3, s5;
	[dreg:$0x0] =	wrdreg $0x0  }
0xa8: {  	s5 =	sshll.u32 s28, $0x1;
	[dreg:$0x2] =	wrdreg s3  }
0xa9: {  	[dreg:$0x3] =	wrdreg s5  }
0xaa: {  	[dreg:$0x4] =	wrdreg $0xC0  }
0xab: {  	_ =	task [dreg:s7], $0x5FFFF  }
0xac: {  	[dreg:$0x1] =	wrdreg $0xFFFFFFFF  }
0xad: {  	[dreg:$0x0] =	wrdreg $0x60  }
0xae: {  	[dreg:$0x2] =	wrdreg s2  }
0xaf: {  	[dreg:$0x3] =	wrdreg s24  }
0xb0: {  	[dreg:$0x4] =	wrdreg $0x90000  }
0xb1: {  	[dreg:$0x5] =	wrdreg $0x9  }
0xb2: {  	_ =	task.clear_ibuf [dreg:s7], $0x6FFFF;
	_ =	strace $0x9000004C  }
0xb3: {  	s29 =	simm.s32 $0x9;
	_ =	strace $0x8000004E  }
0xb4: {  	_ =	swait.ge [sflag:s29], $0x1  }
0xb5: {  	[sflag:s29] =	ssyncadd.s32 $0xFFFFFFFF  }
0xb6: {  	_ =	strace $0x9000004E  }
0xb7: {  	_ =	sfence  }
0xb8: {  	s30 =	sld [smem:$0x0];
	_ =	sdelay $0x2  }
0xb9: {  	s31 =	sshll.u32 s1, $0xD;
	s1 =	sshrl.u32 s1, $0x2  }
0xba: {  	s3 =	sand.u32 $0x4000, s31;
	s1 =	sadd.s32 s1, s30  }
0xbb: {  	s0 =	sor.u32 s3, s0;
	s1 =	sshll.u32 s1, $0x11  }
0xbc: {  	s0 =	sor.u32 s1, s0  }
0xbd: {  	s0 =	sadd.s32 $0x8F2B, s0  }
0xbe: {  	[sflag:s0] =	ssyncadd.remote.s32 $0x1  }
0xbf: {  	_ =	sfence.sel $0xFFFF  }
0xc0: {  	[dreg:$0x0] =	wrdreg $0xFFFFFFFF;
	(pc) =	sbr.abs _section_cstart, $3  }
0xc1: {  	[dreg:$0x1] =	wrdreg $0xFFFFFFFF  }
0xc2: {  	_ =	task.clear_ibuf [dreg:s7], $0x2FFFF;
	_ =	strace $0x9FFFFFFF  }
0xc3: {  	(tm) =	ssettm $0x7FFFFFFF  }
tec
execute0_lowered:
.L_overlay_start_1:
0x0: {  	(tag) =	ssettag $0x1  }
0x1: {  	s2 =	rddreg [dreg:$0x0]  }
0x2: {  	s1 =	srdreg.scid;
	s6 =	rddreg [dreg:$0x1]  }
0x3: {  	s0 =	stileid.u32;
	s3 =	rddreg [dreg:$0x2]  }
0x4: {  	s4 =	simm.s32 $0x0;
	s11 =	simm.s32 $0x2800;
	s14 =	simm.s32 $0x80  }
0x5: {  	s15 =	simm.s32 $0x5000;
	s16 =	simm.s32 $0x1;
	s17 =	simm.s32 $0x2700  }
0x6: {  	s18 =	simm.s32 $0x4F00;
	s19 =	simm.s32 $0x0;
	s5 =	sand.u32 $0x1, s1  }
0x7: {  	s29 =	sshll.u32 s0, $0x1;
	s9 =	smul.u32 $0x13C00, s0;
	[smem:$0x7FF] =	sst s4  }
0x8: {  	s10 =	smul.u32 $0x4F000, s0;
	s12 =	sshll.u32 s0, $0x6;
	s1 =	sor.u32 s5, s29  }
0x9: {  	s8 =	smul.u32 $0x13C000, s5;
	s30 =	ssub.s32 $0x2, s5;
	s5 =	sadd.s32 $0x16C00, s6  }
0xa: {  	s12 =	sor.u32 $0x1C02, s12;
	s7 =	smul.u32 $0x500, s1;
	s1 =	rddreg [dreg:$0x3]  }
0xb: {  	_ =	strace $0x8000004D;
	s31 =	sshrl.u32 s30, $0x1;
	s10 =	sshrl.u32 s10, $0x2  }
0xc: {  	s8 =	sadd.s32 s9, s8;
	s9 =	ssub.s32 s30, s31;
	s13 =	sadd.s32 s10, s3  }
0xd: {  	s10 =	simm.s32 $0x2;
	s7 =	sadd.s32 s7, s6;
	s8 =	sshrl.u32 s8, $0x3  }
0xe: {  	s9 =	smax.u32 s9, $0x1;
	s13 =	sshrl.u32 s13, $0x3;
	s8 =	sadd.s32 s8, s6  }
0xf: {  	s6 =	sadd.s32 $0xCC00, s7;
	s7 =	sadd.s32 $0x2000, s7;
	s8 =	sadd.s32 $0x19400, s8  }
.LBB2_1:
0x10: {  	[tilespmem:s4], [sflag:$0x2] =	stream.linear.gather [hbm4b:s6+s4], $0x2780, $0x38;
	[tilespmem:$0x1CC00] =	vst v63  }
0x11: {  	_ =	swait.ge [sflag:s10], $0x2780  }
0x12: {  	[sflag:s10] =	ssyncset.done $0x0  }
0x13: {  	[sflag:s10] =	ssyncadd.s32 $0xFFFFD880  }
0x14: {  	[tilespmem:s11], [sflag:$0x2] =	stream.linear.gather [hbm4b:s7+s4], $0x2780, $0x38;
	[tilespmem:$0x1CC00] =	vst v63  }
0x15: {  	_ =	swait.ge [sflag:s10], $0x2780  }
0x16: {  	[sflag:s10] =	ssyncset.done $0x0  }
0x17: {  	[sflag:s10] =	ssyncadd.s32 $0xFFFFD880  }
0x18: {  	[spmem:s13], [sflag:s12] =	dma.local [hbm:s5], $0x2780  }
0x19: {  	_ =	swait.ge [sflag:s10], $0x2780  }
0x1a: {  	[sflag:s10] =	ssyncset.done $0x0  }
0x1b: {  	[sflag:s10] =	ssyncadd.s32 $0xFFFFD880  }
0x1c: {  	s20 =	simm.s32 $0x0;
	[bflag:$0x0] =	sbarrier.arrive $0xFFFF  }
0x1d: {  	[tilespmem:s15], [sflag:$0x1] =	stream.indirect.gather [hbm4b:s2+s14], $0x80, s20, s14, $0xb8;
	[tilespmem:$0x1CC00] =	vst v63  }
0x1e: {  	_ =	swait.ge [sflag:s16], $0x4000  }
0x1f: {  	[sflag:s16] =	ssyncset.done $0x0  }
0x20: {  	s29 =	simm.s32 $0x2800;
	[sflag:s16] =	ssyncadd.s32 $0xFFFFC000  }
0x21: {  	[spmem:s3] =	stream.indirect.scatter.add.f32 [tilespmem:s15], [sflag:$0x2], $0x80, s29, s14, $0xb8;
	[tilespmem:$0x1CC00] =	vst v63  }
0x22: {  	_ =	swait.ge [sflag:s10], $0x4000  }
0x23: {  	[sflag:s10] =	ssyncset.done $0x0  }
0x24: {  	s30 =	simm.s32 $0x80;
	[sflag:s10] =	ssyncadd.s32 $0xFFFFC000  }
0x25: {  	[tilespmem:s15], [sflag:$0x1] =	stream.indirect.gather [hbm4b:s2+s14], $0x80, s30, s14, $0xb8;
	[tilespmem:$0x1CC00] =	vst v63  }
0x26: {  	_ =	swait.ge [sflag:s16], $0x4000  }
0x27: {  	[sflag:s16] =	ssyncset.done $0x0  }
0x28: {  	s31 =	simm.s32 $0x2880;
	[sflag:s16] =	ssyncadd.s32 $0xFFFFC000  }
0x29: {  	[spmem:s3] =	stream.indirect.scatter.add.f32 [tilespmem:s15], [sflag:$0x2], $0x80, s31, s14, $0xb8;
	[tilespmem:$0x1CC00] =	vst v63  }
0x2a: {  	_ =	swait.ge [sflag:s10], $0x4000  }
0x2b: {  	s21 =	simm.s32 $0x800;
	s20 =	simm.s32 $0x400;
	[sflag:s10] =	ssyncset.done $0x0  }
.LBB2_2:
0x2c: {  	s22 =	sshra.s32 s20, $0x2  }
0x2d: {  	[sflag:s10] =	ssyncadd.s32 $0xFFFFC000;
	s20 =	smov.u32 s21;
	s23 =	sadd.s32 $0x400, s21  }
0x2e: {  	[tilespmem:s15], [sflag:$0x1] =	stream.indirect.gather [hbm4b:s2+s14], $0x80, s22, s14, $0xb8;
	[tilespmem:$0x1CC00] =	vst v63  }
0x2f: {  	p0 =	sne.s32 s21, $0x9800;
	_ =	swait.ge [sflag:s16], $0x4000  }
0x30: {  	[sflag:s16] =	ssyncset.done $0x0  }
0x31: {  	s21 =	sadd.s32 $0x2800, s22;
	[sflag:s16] =	ssyncadd.s32 $0xFFFFC000  }
0x32: {  	[spmem:s3] =	stream.indirect.scatter.add.f32 [tilespmem:s15], [sflag:$0x2], $0x80, s21, s14, $0xb8;
	[tilespmem:$0x1CC00] =	vst v63  }
0x33: {  	_ =	swait.ge [sflag:s10], $0x4000  }
0x34: {  	[sflag:s10] =	ssyncset.done $0x0  }
0x35: {  	s21 =	sadd.s32 $0x80, s22;
	[sflag:s10] =	ssyncadd.s32 $0xFFFFC000  }
0x36: {  	[tilespmem:s15], [sflag:$0x1] =	stream.indirect.gather [hbm4b:s2+s14], $0x80, s21, s14, $0xb8;
	[tilespmem:$0x1CC00] =	vst v63  }
0x37: {  	_ =	swait.ge [sflag:s16], $0x4000  }
.Ltmp0:
0x38: {  	[sflag:s16] =	ssyncset.done $0x0;
	(pc) =	sbr.rel @p0 .LBB2_2-.Ltmp0, $4  }
0x39: {  	s21 =	sadd.s32 $0x2880, s22;
	[sflag:s16] =	ssyncadd.s32 $0xFFFFC000  }
0x3a: {  	[spmem:s3] =	stream.indirect.scatter.add.f32 [tilespmem:s15], [sflag:$0x2], $0x80, s21, s14, $0xb8;
	[tilespmem:$0x1CC00] =	vst v63  }
0x3b: {  	_ =	swait.ge [sflag:s10], $0x4000  }
0x3c: {  	s21 =	smov.u32 s23;
	[sflag:s10] =	ssyncset.done $0x0  }
0x3d: {  	s20 =	sshra.s32 s20, $0x2;
	[sflag:s10] =	ssyncadd.s32 $0xFFFFC000  }
0x3e: {  	[tilespmem:s15], [sflag:$0x1] =	stream.indirect.gather [hbm4b:s2+s14], $0x80, s20, s14, $0xb8;
	[tilespmem:$0x1CC00] =	vst v63  }
0x3f: {  	_ =	swait.ge [sflag:s16], $0x4000  }
0x40: {  	[sflag:s16] =	ssyncset.done $0x0  }
0x41: {  	s21 =	sadd.s32 $0x2800, s20;
	[sflag:s16] =	ssyncadd.s32 $0xFFFFC000  }
0x42: {  	[spmem:s3] =	stream.indirect.scatter.add.f32 [tilespmem:s15], [sflag:$0x2], $0x80, s21, s14, $0xb8;
	[tilespmem:$0x1CC00] =	vst v63  }
0x43: {  	_ =	swait.ge [sflag:s10], $0x4000  }
0x44: {  	[sflag:s10] =	ssyncset.done $0x0  }
0x45: {  	s31 =	sadd.s32 $0x80, s20;
	[sflag:s10] =	ssyncadd.s32 $0xFFFFC000  }
0x46: {  	[tilespmem:s15], [sflag:$0x1] =	stream.indirect.gather [hbm4b:s2+s14], $0x80, s31, s14, $0xb8;
	[tilespmem:$0x1CC00] =	vst v63  }
0x47: {  	_ =	swait.ge [sflag:s16], $0x4000  }
0x48: {  	[sflag:s16] =	ssyncset.done $0x0  }
0x49: {  	s20 =	sadd.s32 $0x2880, s20;
	[sflag:s16] =	ssyncadd.s32 $0xFFFFC000  }
0x4a: {  	[spmem:s3] =	stream.indirect.scatter.add.f32 [tilespmem:s15], [sflag:$0x2], $0x80, s20, s14, $0xb8;
	[tilespmem:$0x1CC00] =	vst v63  }
0x4b: {  	_ =	swait.ge [sflag:s10], $0x4000  }
0x4c: {  	[sflag:s10] =	ssyncset.done $0x0  }
0x4d: {  	[sflag:s10] =	ssyncadd.s32 $0xFFFFC000  }
0x4e: {  	[tilespmem:s15], [sflag:$0x1] =	stream.indirect.gather [hbm4b:s2+s14], $0x80, s17, s14, $0xb8;
	[tilespmem:$0x1CC00] =	vst v63  }
0x4f: {  	_ =	swait.ge [sflag:s16], $0x4000  }
0x50: {  	[sflag:s16] =	ssyncset.done $0x0  }
0x51: {  	[sflag:s16] =	ssyncadd.s32 $0xFFFFC000  }
0x52: {  	[spmem:s3] =	stream.indirect.scatter.add.f32 [tilespmem:s15], [sflag:$0x2], $0x80, s18, s14, $0xb8;
	[tilespmem:$0x1CC00] =	vst v63  }
0x53: {  	_ =	swait.ge [sflag:s10], $0x4000  }
0x54: {  	s19 =	sadd.s32 $0x1, s19;
	[sflag:s10] =	ssyncset.done $0x0  }
0x55: {  	p0 =	sne.s32 s19, s9;
	[sflag:s10] =	ssyncadd.s32 $0xFFFFC000  }
.Ltmp1:
0x56: {  	[bflag:$0x0] =	sbarrier.arrive $0xFFFF;
	(pc) =	sbr.rel @p0 .LBB2_1-.Ltmp1, $4  }
0x57: {  	[hbm:s8], [sflag:s12] =	dma.local [spmem:s13], $0x2780  }
0x58: {  	_ =	swait.ge [sflag:s10], $0x2780  }
0x59: {  	[sflag:s10] =	ssyncset.done $0x0  }
0x5a: {  	[sflag:s10] =	ssyncadd.s32 $0xFFFFD880  }
0x5b: {  	_ =	sfence.sel $0x180000  }
0x5c: {  	[bflag:$0x0] =	sbarrier.arrive $0xFFFF  }
0x5d: {  	p0 =	sne.s32 s0, $0x0;
	_ =	strace $0x9000004D  }
0x5e: {  	s0 =	sadd.s32 @!p0 $0x100000, s1;
	[bflag:$0x2] =	sbarrier.arrive $0xFFFF  }
0x5f: {  	[sflag:s0] =	ssyncadd.tile.s32 @!p0 $0x1;
	_ =	shalt  }
.Lfunc_end2:
_tile_overlayer_lowered:
.L_overlay_start_2:
0x60: {  	(tag) =	ssettag $0x2  }
0x61: {  	s0 =	rddreg [dreg:$0x0];
	s2 =	stileid.u32  }
0x62: {  	s1 =	rddreg [dreg:$0x1];
	p0 =	sne.s32 s2, $0x0  }
0x63: {  	s3 =	rddreg [dreg:$0x2];
	[bflag:$0x3] =	sbarrier.arrive $0xFFFF;
	s2 =	simm.s32 @!p0 $0x1C02  }
0x64: {  	[timem:s3], [sflag:s2] =	dma.local @!p0 [hbm:s0], s1  }
0x65: {  	s0 =	simm.s32 @!p0 $0x2  }
0x66: {  	_ =	swait.ge @!p0 [sflag:s0], s1  }
0x67: {  	s1 =	ssub.s32 @!p0 $0x0, s1;
	[sflag:s0] =	ssyncset.done @!p0 $0x0  }
0x68: {  	[sflag:s0] =	ssyncadd.s32 @!p0 s1  }
0x69: {  	[bflag:$0x3] =	sbarrier.arrive $0xFFFF  }
0x6a: {  	_ =	shalt  }

// kernel: kernel.8.cloned.1.call-start
scs
__scs_entry_jumppad:
0x0: {  	(pc) =	sbr.rel $0x88, $3  }
0x1: {  	(tag) =	ssettag $0x0;
	lr =	simm.s32 $0x1  }
0x2: {  	[smem:$0x3F99] =	sst lr;
	_ =	strace $0xD0000000  }
0x3: {  	_ = 	snop  }
0x4: {  	_ = 	snop  }
0x5: {  	_ = 	snop  }
0x6: {  	_ = 	snop  }
0x7: {  	_ = 	snop  }
__scs_overlays_trampoline_lowered:
0x8: {  	[smem:$0x3FA8] =	sst s0  }
0x9: {  	[smem:$0x3FA9] =	sst s1  }
0xa: {  	[smem:$0x3FAA] =	sst s2  }
0xb: {  	[smem:$0x3FAB] =	sst s3  }
0xc: {  	[smem:$0x3FAC] =	sst s4  }
0xd: {  	[smem:$0x3FAD] =	sst s5  }
0xe: {  	[smem:$0x3FAE] =	sst s6  }
0xf: {  	[smem:$0x3FAF] =	sst s7  }
0x10: {  	[smem:$0x3FB0] =	sst s8  }
0x11: {  	[smem:$0x3FB1] =	sst s9;
	s0 =	simm.s32 @!p0 $0x0  }
0x12: {  	s1 =	sld [smem:$0x3F97];
	s0 =	simm.s32 @p0 $0x1  }
0x13: {  	[smem:$0x3FB2] =	sst s0;
	s0 =	simm.s32 @!p1 $0x0  }
0x14: {  	s2 =	sld [smem:$0x3F96];
	s0 =	simm.s32 @p1 $0x1  }
0x15: {  	[smem:$0x3FB3] =	sst s0;
	s0 =	simm.s32 @!p2 $0x0  }
0x16: {  	s3 =	sld [smem:$0x3FDB];
	s0 =	simm.s32 @p2 $0x1  }
0x17: {  	s4 =	simm.s32 $0x1BF5;
	[smem:$0x3FB5] =	sst s0  }
0x18: {  	s0 =	sld [smem:$0x3F98];
	_ =	swait.ge [sflag:s4], $0x0  }
0x19: {  	s7 =	sld [smem:$0x3F99]  }
0x1a: {  	s8 =	sadd.s32 $0xFFFFE003, lr  }
0x1b: {  	s9 =	sadd.s32 $0xFFFFFEF7, lr;
	s5 =	simm.s32 $0xFFFFFFFF;
	p2 =	slt.u32 s8, $0xFFFFF086  }
0x1c: {  	p1 =	slt.u32 s9, $0xF7A;
	s5 =	simm.s32 @!p2 $0x0  }
0x1d: {  	s5 =	simm.s32 @p1 $0x1;
	p0 =	seq.s32 s7, s2  }
0x1e: {  	s7 =	smul.u32 @!p0 $0xF7A, s2;
	p2 =	seq.s32 @!p0 s5, $0x0  }
0x1f: {  	s9 =	smul.u32 $0xF7A, s1;
	s8 =	simm.s32 @!p0 $0x1BF5;
	p2 =	por !p2, p0  }
0x20: {  	[sflag:s8] =	ssyncset.s32 @!p0 $0xFFFFF086;
	s6 =	sadd.s32 @!p0 s3, s7;
	s7 =	simm.s32 @!p0 $0x108  }
0x21: {  	s3 =	sadd.s32 s3, s9;
	s6 =	sadd.s32 @!p0 $0x88, s6;
	s7 =	simm.s32 @p2 $0x1082  }
0x22: {  	[simem:s7], [sflag:s8] =	dma.local @!p0 [hbm:s6], $0xF7A  }
0x23: {  	s9 =	sor.u32 $0xD0000000, s2;
	s6 =	simm.s32 $0x108;
	_ =	swait.ge @!p0 [sflag:s8], $0x0  }
0x24: {  	s3 =	sadd.s32 $0x88, s3;
	s6 =	simm.s32 @!p1 $0x1082;
	[sflag:s4] =	ssyncset.s32 $0xFFFFF086  }
0x25: {  	[simem:s6], [sflag:s4] =	dma.local [hbm:s3], $0xF7A  }
0x26: {  	[smem:$0x3F99] =	sst s1;
	(tag) =	ssettag s2;
	_ =	strace s9  }
0x27: {  	s1 =	sld [smem:$0x3FA9]  }
0x28: {  	s2 =	sld [smem:$0x3FAA]  }
0x29: {  	s4 =	sld [smem:$0x3FAC]  }
0x2a: {  	p0 =	seq.s32 s5, $0x0;
	s5 =	sld [smem:$0x3FAD]  }
0x2b: {  	s6 =	sld [smem:$0x3FAE]  }
0x2c: {  	s7 =	sld [smem:$0x3FAF]  }
0x2d: {  	s3 =	simm.s32 $0x108;
	s8 =	sld [smem:$0x3FB0]  }
0x2e: {  	s3 =	simm.s32 @!p0 $0x1082;
	s9 =	sld [smem:$0x3FB1]  }
0x2f: {  	lr =	sadd.s32 s0, s3;
	s0 =	sld [smem:$0x3FA8]  }
0x30: {  	s3 =	sld [smem:$0x3FAB]  }
0x31: {  	[smem:$0x3FB4] =	sst s10  }
0x32: {  	s10 =	sld [smem:$0x3FB2];
	_ =	sdelay $0x3  }
0x33: {  	p0 =	seq.s32 s10, $0x1;
	s10 =	sld [smem:$0x3FB4];
	_ =	sdelay $0x3  }
0x34: {  	[smem:$0x3FB4] =	sst s10  }
0x35: {  	s10 =	sld [smem:$0x3FB3];
	_ =	sdelay $0x3  }
0x36: {  	p1 =	seq.s32 s10, $0x1;
	s10 =	sld [smem:$0x3FB4];
	_ =	sdelay $0x3  }
0x37: {  	[smem:$0x3FB4] =	sst s10  }
0x38: {  	s10 =	sld [smem:$0x3FB5]  }
0x39: {  	_ = 	snop;
	(pc) =	sbr.ind lr, $3  }
0x3a: {  	_ = 	snop  }
0x3b: {  	_ = 	snop  }
0x3c: {  	p2 =	seq.s32 s10, $0x1;
	s10 =	sld [smem:$0x3FB4]  }
0x3d: {  	_ =	shalt  }
0x3e: {  	_ =	shalt  }
0x3f: {  	_ =	shalt  }
0x40: {  	_ =	shalt  }
0x41: {  	_ =	shalt  }
0x42: {  	_ =	shalt  }
0x43: {  	_ =	shalt  }
0x44: {  	_ =	shalt  }
0x45: {  	_ =	shalt  }
0x46: {  	_ =	shalt  }
0x47: {  	_ =	shalt  }
0x48: {  	_ =	shalt  }
0x49: {  	_ =	shalt  }
0x4a: {  	_ =	shalt  }
0x4b: {  	_ =	shalt  }
0x4c: {  	_ =	shalt  }
0x4d: {  	_ =	shalt  }
0x4e: {  	_ =	shalt  }
0x4f: {  	_ =	shalt  }
0x50: {  	_ =	shalt  }
0x51: {  	_ =	shalt  }
0x52: {  	_ =	shalt  }
0x53: {  	_ =	shalt  }
0x54: {  	_ =	shalt  }
0x55: {  	_ =	shalt  }
0x56: {  	_ =	shalt  }
0x57: {  	_ =	shalt  }
0x58: {  	_ =	shalt  }
0x59: {  	_ =	shalt  }
0x5a: {  	_ =	shalt  }
0x5b: {  	_ =	shalt  }
0x5c: {  	_ =	shalt  }
0x5d: {  	_ =	shalt  }
0x5e: {  	_ =	shalt  }
0x5f: {  	_ =	shalt  }
0x60: {  	_ =	shalt  }
0x61: {  	_ =	shalt  }
0x62: {  	_ =	shalt  }
0x63: {  	_ =	shalt  }
0x64: {  	_ =	shalt  }
0x65: {  	_ =	shalt  }
0x66: {  	_ =	shalt  }
0x67: {  	_ =	shalt  }
0x68: {  	_ =	shalt  }
0x69: {  	_ =	shalt  }
0x6a: {  	_ =	shalt  }
0x6b: {  	_ =	shalt  }
0x6c: {  	_ =	shalt  }
0x6d: {  	_ =	shalt  }
0x6e: {  	_ =	shalt  }
0x6f: {  	_ =	shalt  }
0x70: {  	_ =	shalt  }
0x71: {  	_ =	shalt  }
0x72: {  	_ =	shalt  }
0x73: {  	_ =	shalt  }
0x74: {  	_ =	shalt  }
0x75: {  	_ =	shalt  }
0x76: {  	_ =	shalt  }
0x77: {  	_ =	shalt  }
0x78: {  	_ =	shalt  }
0x79: {  	_ =	shalt  }
0x7a: {  	_ =	shalt  }
0x7b: {  	_ =	shalt  }
0x7c: {  	_ =	shalt  }
0x7d: {  	_ =	shalt  }
0x7e: {  	_ =	shalt  }
0x7f: {  	_ =	shalt  }
0x80: {  	_ =	shalt  }
0x81: {  	_ =	shalt  }
0x82: {  	_ =	shalt  }
0x83: {  	_ =	shalt  }
0x84: {  	_ =	shalt  }
0x85: {  	_ =	shalt  }
0x86: {  	_ =	shalt  }
0x87: {  	_ =	shalt  }
.Lfunc_end0:
.L_simem_size_0:
called_computation_lowered:
.L_overlay_start_0:
0x88: {  	s2 =	sld [smem:$0x3FD9]  }
0x89: {  	s3 =	sld [smem:$0x3FFE];
	_ =	sdelay $0x1  }
0x8a: {  	s1 =	srdreg.scid  }
0x8b: {  	s0 =	sand.u32 $0x1, s1  }
0x8c: {  	s16 =	sshll.u32 s0, $0xA;
	s2 =	sadd.s32 s3, s2  }
0x8d: {  	s2 =	sadd.s32 s2, s16  }
0x8e: {  	[smem:$0x3FC0] =	sst s2  }
0x8f: {  	_ = 	snop  }
0x90: {  	(tm) =	ssettm $0x1  }
0x91: {  	s17 =	sld [smem:$0x3FFB];
	_ =	sdelay $0x3  }
0x92: {  	_ =	strace s17  }
0x93: {  	s2 =	sld [smem:$0x3FFC];
	_ =	sdelay $0x3  }
0x94: {  	_ =	strace s2  }
0x95: {  	s2 =	sld [smem:$0x3FFD];
	_ =	sdelay $0x3  }
0x96: {  	_ =	strace s2  }
0x97: {  	_ =	strace $0x8FFFFFFF  }
0x98: {  	s18 =	sld [smem:$0x3FDB];
	_ =	sdelay $0x1  }
0x99: {  	s19 =	simm.s32 $_scs_section_size  }
0x9a: {  	s4 =	simm.s32 $_size__tile_overlayer_lowered;
	s5 =	simm.s32 $_tile_overlayer_lowered  }
0x9b: {  	s22 =	simm.s32 $0x1BFF;
	s21 =	sshll.u32 s5, $0x1;
	s2 =	sadd.s32 s19, s18  }
0x9c: {  	s6 =	simm.s32 $0x0;
	s20 =	sshll.u32 s4, $0x1;
	s4 =	sadd.s32 s21, s2  }
0x9d: {  	[timem:s6], [sflag:s22] =	dma.local [hbm:s4], s20  }
0x9e: {  	_ =	swait.ge [sflag:s22], s20  }
0x9f: {  	s3 =	ssub.s32 $0x0, s20;
	[sflag:s22] =	ssyncset.done $0x0  }
0xa0: {  	[sflag:s22] =	ssyncadd.s32 s3;
	_ =	sdelay $0x1  }
0xa1: {  	s23 =	simm.s32 $0x1B8B  }
0xa2: {  	_ =	swait.ge [sflag:s23], $0x1  }
0xa3: {  	[sflag:s23] =	ssyncset.done $0x0  }
0xa4: {  	s25 =	simm.s32 $0x1B8E;
	s24 =	sld [smem:$0x3FFE];
	[sflag:s23] =	ssyncadd.s32 $0xFFFFFFFF  }
0xa5: {  	s26 =	simm.s32 $execute0_lowered;
	[smem:$0x3FD2] =	sst s25  }
0xa6: {  	s4 =	sshll.u32 s26, $0x1;
	_ =	strace $0x80000046;
	[dreg:$0x1] =	wrdreg $0xFFFFFFFF  }
0xa7: {  	s28 =	simm.s32 $_size_execute0_lowered;
	s2 =	sadd.s32 s2, s4;
	[dreg:$0x0] =	wrdreg $0x0  }
0xa8: {  	s4 =	sshll.u32 s28, $0x1;
	[dreg:$0x2] =	wrdreg s2  }
0xa9: {  	[dreg:$0x3] =	wrdreg s4  }
0xaa: {  	[dreg:$0x4] =	wrdreg $0xC0  }
0xab: {  	_ =	task [dreg:s6], $0x5FFFF  }
0xac: {  	[dreg:$0x1] =	wrdreg $0xFFFFFFFF  }
0xad: {  	[dreg:$0x0] =	wrdreg $0x60  }
0xae: {  	[dreg:$0x2] =	wrdreg s24  }
0xaf: {  	[dreg:$0x3] =	wrdreg $0x28800  }
0xb0: {  	[dreg:$0x4] =	wrdreg $0x9  }
0xb1: {  	_ =	task.clear_ibuf [dreg:s6], $0x5FFFF;
	_ =	strace $0x90000046  }
0xb2: {  	s29 =	simm.s32 $0x9;
	_ =	strace $0x80000048  }
0xb3: {  	_ =	swait.ge [sflag:s29], $0x1  }
0xb4: {  	[sflag:s29] =	ssyncadd.s32 $0xFFFFFFFF  }
0xb5: {  	_ =	strace $0x90000048  }
0xb6: {  	_ =	sfence  }
0xb7: {  	s30 =	sld [smem:$0x0];
	_ =	sdelay $0x2  }
0xb8: {  	s31 =	sshll.u32 s1, $0xD;
	s1 =	sshrl.u32 s1, $0x2  }
0xb9: {  	s3 =	sand.u32 $0x4000, s31;
	s1 =	sadd.s32 s1, s30  }
0xba: {  	s0 =	sor.u32 s3, s0;
	s1 =	sshll.u32 s1, $0x11  }
0xbb: {  	s0 =	sor.u32 s1, s0  }
0xbc: {  	s0 =	sadd.s32 $0x8F2B, s0  }
0xbd: {  	[sflag:s0] =	ssyncadd.remote.s32 $0x1  }
0xbe: {  	_ =	sfence.sel $0xFFFF  }
0xbf: {  	[dreg:$0x0] =	wrdreg $0xFFFFFFFF;
	(pc) =	sbr.abs _section_cstart, $3  }
0xc0: {  	[dreg:$0x1] =	wrdreg $0xFFFFFFFF  }
0xc1: {  	_ =	task.clear_ibuf [dreg:s6], $0x2FFFF;
	_ =	strace $0x9FFFFFFF  }
0xc2: {  	(tm) =	ssettm $0x7FFFFFFF  }
0xc3: {  	_ =	shalt  }
tec
execute0_lowered:
.L_overlay_start_1:
0x0: {  	(tag) =	ssettag $0x1  }
0x1: {  	s1 =	srdreg.scid  }
0x2: {  	s0 =	stileid.u32;
	s5 =	rddreg [dreg:$0x0]  }
0x3: {  	s2 =	rddreg [dreg:$0x1];
	s3 =	simm.s32 $0x0;
	s11 =	simm.s32 $0x80  }
0x4: {  	s12 =	simm.s32 $0x2800;
	s13 =	simm.s32 $0x0;
	s4 =	sand.u32 $0x1, s1  }
0x5: {  	s30 =	sshll.u32 s0, $0x1;
	s1 =	rddreg [dreg:$0x2];
	s7 =	smul.u32 $0xA00, s0  }
0x6: {  	[smem:$0x7FF] =	sst s3;
	s9 =	smul.u32 $0x1400, s0;
	p0 =	sgt.u32 s0, $0x7  }
0x7: {  	s6 =	sor.u32 s4, s30;
	_ =	strace $0x80000047;
	s8 =	sshll.u32 s4, $0x7  }
0x8: {  	s31 =	ssub.s32 $0x2, s4;
	s4 =	sadd.s32 $0xC000, s5;
	s6 =	smul.u32 $0x500, s6  }
0x9: {  	s7 =	sor.u32 s8, s7;
	s10 =	sshrl.u32 s31, $0x1;
	s9 =	sshrl.u32 s9, $0x2  }
0xa: {  	s7 =	sshrl.u32 s7, $0x3;
	s8 =	ssub.s32 s31, s10;
	s10 =	sadd.s32 s9, s2  }
0xb: {  	s9 =	sshll.u32 @!p0 s0, $0x6;
	s6 =	sadd.s32 s6, s5;
	s7 =	sadd.s32 s7, s5  }
0xc: {  	s9 =	sor.u32 @!p0 $0x1C01, s9;
	s10 =	sshrl.u32 @!p0 s10, $0x3;
	s5 =	sadd.s32 $0x2000, s6  }
0xd: {  	v0 =	vimm.f32 $1.000000000e+00;
	s6 =	sadd.s32 $0xC200, s7;
	s7 =	smax.u32 s8, $0x1;
	s8 =	simm.s32 $0x1  }
.LBB2_1:
0xe: {  	[tilespmem:s3], [sflag:$0x1] =	stream.linear.gather [hbm4b:s5+s3], $0x2780, $0x38;
	[tilespmem:$0x2B00] =	vst v63  }
0xf: {  	_ =	swait.ge [sflag:s8], $0x2780  }
0x10: {  	[sflag:s8] =	ssyncset.done $0x0  }
0x11: {  	s14 =	simm.s32 @!p0 $0x1;
	[sflag:s8] =	ssyncadd.s32 $0xFFFFD880  }
0x12: {  	[spmem:s10], [sflag:s9] =	dma.local @!p0 [hbm:s4], $0xA0  }
0x13: {  	_ =	swait.ge @!p0 [sflag:s14], $0xA0  }
0x14: {  	[sflag:s14] =	ssyncset.done @!p0 $0x0  }
0x15: {  	[sflag:s14] =	ssyncadd.s32 @!p0 $0xFFFFFF60  }
0x16: {  	[tilespmem:$0x2800] =	vst v0  }
0x17: {  	[tilespmem:$0x2810] =	vst v0  }
0x18: {  	[tilespmem:$0x2820] =	vst v0  }
0x19: {  	[tilespmem:$0x2830] =	vst v0  }
0x1a: {  	[tilespmem:$0x2840] =	vst v0  }
0x1b: {  	[tilespmem:$0x2850] =	vst v0  }
0x1c: {  	[tilespmem:$0x2860] =	vst v0  }
0x1d: {  	[tilespmem:$0x2870] =	vst v0  }
0x1e: {  	s31 =	simm.s32 $0x0;
	[bflag:$0x0] =	sbarrier.arrive $0xFFFF  }
0x1f: {  	[spmem:s2] =	stream.indirect.scatter.add.f32 [tilespmem:s12], [sflag:$0x1], $0x1, s31, s11, $0xb8;
	[tilespmem:$0x2B00] =	vst v63  }
0x20: {  	_ =	swait.ge [sflag:s8], $0x80  }
0x21: {  	s14 =	simm.s32 $0x200;
	[sflag:s8] =	ssyncset.done $0x0  }
.LBB2_2:
0x22: {  	s15 =	sshra.s32 s14, $0x2;
	[sflag:s8] =	ssyncadd.s32 $0xFFFFFF80;
	p1 =	sne.s32 s14, $0x9C00  }
0x23: {  	[spmem:s2] =	stream.indirect.scatter.add.f32 [tilespmem:s12], [sflag:$0x1], $0x1, s15, s11, $0xb8;
	[tilespmem:$0x2B00] =	vst v63  }
.Ltmp0:
0x24: {  	_ = 	snop;
	(pc) =	sbr.rel @p1 .LBB2_2-.Ltmp0, $4  }
0x25: {  	_ = 	snop  }
0x26: {  	s14 =	sadd.s32 $0x200, s14  }
0x27: {  	_ =	swait.ge [sflag:s8], $0x80  }
0x28: {  	[sflag:s8] =	ssyncset.done $0x0  }
0x29: {  	[sflag:s8] =	ssyncadd.s32 $0xFFFFFF80;
	s13 =	sadd.s32 $0x1, s13  }
0x2a: {  	s14 =	simm.s32 @!p0 $0x1;
	s15 =	simm.s32 @!p0 $0x20;
	p1 =	sne.s32 s13, s7  }
.Ltmp1:
0x2b: {  	s16 =	simm.s32 @!p0 $0x10;
	[bflag:$0x0] =	sbarrier.arrive $0xFFFF;
	(pc) =	sbr.rel @p1 .LBB2_1-.Ltmp1, $4  }
0x2c: {  	[hbm:s6@s15], [sflag:s9] =	dma.strided @!p0 [spmem:s10@s16], $0xA0, s14, $0x10   }
0x2d: {  	_ =	swait.ge @!p0 [sflag:s14], $0xA0  }
0x2e: {  	[sflag:s14] =	ssyncset.done @!p0 $0x0  }
0x2f: {  	[sflag:s14] =	ssyncadd.s32 @!p0 $0xFFFFFF60  }
0x30: {  	_ =	sfence.sel $0x180000  }
0x31: {  	[bflag:$0x0] =	sbarrier.arrive $0xFFFF  }
0x32: {  	p0 =	sne.s32 s0, $0x0;
	_ =	strace $0x90000047  }
0x33: {  	s0 =	sadd.s32 @!p0 $0x100000, s1;
	[bflag:$0x2] =	sbarrier.arrive $0xFFFF  }
0x34: {  	[sflag:s0] =	ssyncadd.tile.s32 @!p0 $0x1;
	_ =	shalt  }
.Lfunc_end2:
_tile_overlayer_lowered:
.L_overlay_start_2:
0x35: {  	(tag) =	ssettag $0x2  }
0x36: {  	s0 =	rddreg [dreg:$0x0];
	s2 =	stileid.u32  }
0x37: {  	s1 =	rddreg [dreg:$0x1];
	p0 =	sne.s32 s2, $0x0  }
0x38: {  	s3 =	rddreg [dreg:$0x2];
	[bflag:$0x3] =	sbarrier.arrive $0xFFFF;
	s2 =	simm.s32 @!p0 $0x1C01  }
0x39: {  	[timem:s3], [sflag:s2] =	dma.local @!p0 [hbm:s0], s1  }
0x3a: {  	s0 =	simm.s32 @!p0 $0x1  }
0x3b: {  	_ =	swait.ge @!p0 [sflag:s0], s1  }
0x3c: {  	s1 =	ssub.s32 @!p0 $0x0, s1;
	[sflag:s0] =	ssyncset.done @!p0 $0x0  }
0x3d: {  	[sflag:s0] =	ssyncadd.s32 @!p0 s1  }
0x3e: {  	[bflag:$0x3] =	sbarrier.arrive $0xFFFF  }
0x3f: {  	_ =	shalt  }

</sc_bundles>
